<compile_context>
chip_gen: v7x
topology: tpu7x:2x2x1
jax: 0.10.2.dev20260603
libtpu: 0.0.44.dev20260713+nightly
codegen_flags: <defaults>
</compile_context>

<pallas_src>
import functools

import jax
import jax.numpy as jnp
from jax import lax
from jax.experimental import pallas as pl
from jax.experimental.pallas import tpu as pltpu
from jax.experimental.pallas import tpu_sc as plsc

N = 10000
E = 320000
D = 128

NC = 2
NS = 16
L = 16
NW = NC * NS

EPW = E // NW
CHUNK = 80
NCHUNK = EPW // CHUNK
R_FULL = 632
R_LAST = N - (NS - 1) * R_FULL


def _sc_segment_sum(e3, X):
    mesh = plsc.VectorSubcoreMesh(core_axis_name="c", subcore_axis_name="s")

    @functools.partial(
        pl.kernel,
        mesh=mesh,
        out_type=jax.ShapeDtypeStruct((NC, N, D), jnp.float32),
        scratch_types=[
            pltpu.VMEM((2, 2, CHUNK), jnp.int32),
            pltpu.VMEM((2, CHUNK, D), jnp.float32),
            pltpu.VMEM((8, D), jnp.float32),
            pltpu.VMEM_SHARED((N, D), jnp.float32),
            pltpu.SemaphoreType.DMA,
            pltpu.SemaphoreType.DMA,
            pltpu.SemaphoreType.DMA,
        ],
    )
    def seg(e3_hbm, x_hbm, agg_out,
            eidx_v, rows_v, zb_v,
            acc_s, gsem, isem, ssem):
        c = lax.axis_index("c")
        s = lax.axis_index("s")
        wid = c * NS + s

        zeros16 = jnp.zeros((L,), jnp.float32)

        for r in range(8):
            for j in range(D // L):
                zb_v[r, pl.ds(j * L, L)] = zeros16

        base_r = s * R_FULL
        my_rows = jnp.where(s == NS - 1, R_LAST, R_FULL)

        def zinit(i, carry):
            pltpu.sync_copy(zb_v, acc_s.at[pl.ds(base_r + i * 8, 8)])
            return carry

        lax.fori_loop(0, my_rows // 8, zinit, 0)

        plsc.subcore_barrier()

        def idx_issue(j, p):
            pltpu.async_copy(e3_hbm.at[wid, j], eidx_v.at[p], isem)

        def idx_wait(j, p):
            pltpu.make_async_copy(e3_hbm.at[wid, j], eidx_v.at[p],
                                  isem).wait()

        def gather_start(p):
            pltpu.async_copy(x_hbm.at[eidx_v.at[p, 0]], rows_v.at[p], gsem)

        def gather_wait(p):
            pltpu.make_async_copy(x_hbm.at[eidx_v.at[p, 0]], rows_v.at[p],
                                  gsem).wait()

        def scatter_fire(p):
            pltpu.async_copy(rows_v.at[p], acc_s.at[eidx_v.at[p, 1]], ssem,
                             add=True)

        def scatter_drain(p):
            pltpu.make_async_copy(rows_v.at[p], acc_s.at[eidx_v.at[p, 1]],
                                  ssem).wait()

        def body(j, b):
            gather_wait(b)
            scatter_fire(b)
            scatter_drain(1 - b)
            idx_issue(j + 1, 1 - b)
            idx_wait(j + 1, 1 - b)
            gather_start(1 - b)

        idx_issue(0, 0)
        idx_wait(0, 0)
        gather_start(0)
        gather_wait(0)
        scatter_fire(0)
        idx_issue(1, 1)
        idx_wait(1, 1)
        gather_start(1)

        def pair_body(t, carry):
            body(1 + 2 * t, 1)
            body(2 + 2 * t, 0)
            return carry

        lax.fori_loop(0, (NCHUNK - 3) // 2, pair_body, 0)

        body(NCHUNK - 2, 1)
        gather_wait(0)
        scatter_fire(0)
        scatter_drain(1)
        scatter_drain(0)

        plsc.subcore_barrier()

        @pl.when(s < NS - 1)
        def _():
            pltpu.sync_copy(acc_s.at[pl.ds(base_r, R_FULL)],
                            agg_out.at[c, pl.ds(base_r, R_FULL)])

        @pl.when(s == NS - 1)
        def _():
            pltpu.sync_copy(acc_s.at[pl.ds(base_r, R_LAST)],
                            agg_out.at[c, pl.ds(base_r, R_LAST)])

    return seg(e3, X)


HB = 12800
HROWS = 80


def _tc_hist_body(dst_ref, out_ref):
    i = pl.program_id(0)

    @pl.when(i == 0)
    def _():
        out_ref[...] = jnp.zeros_like(out_ref)

    d = dst_ref[...]
    hi = d >> 7
    lo = d & 127
    oh_hi = (hi == lax.broadcasted_iota(jnp.int32, (1, HROWS), 1)
             ).astype(jnp.bfloat16)
    oh_lo = (lo == lax.broadcasted_iota(jnp.int32, (1, D), 1)
             ).astype(jnp.bfloat16)
    out_ref[...] += lax.dot_general(
        oh_hi, oh_lo, (((0,), (0,)), ((), ())),
        preferred_element_type=jnp.float32)


def _tc_hist(dst):
    return pl.pallas_call(
        _tc_hist_body,
        grid=(E // HB,),
        in_specs=[pl.BlockSpec((HB, 1), lambda i: (i, 0))],
        out_specs=pl.BlockSpec((HROWS, D), lambda i: (0, 0)),
        out_shape=jax.ShapeDtypeStruct((HROWS, D), jnp.float32),
    )(dst.reshape(E, 1))


BLK = 1000


def _tc_gates_body(x_ref, agg_ref, cnt_ref, w_ref, bxc_ref, aux_ref,
                   h_ref, c_ref):
    x = x_ref[...]
    agg = agg_ref[0] + agg_ref[1]
    cnt = cnt_ref[...]
    mean = agg / jnp.maximum(cnt, 1.0)
    xm = jnp.concatenate([mean, x], axis=1)
    S = jnp.dot(xm, w_ref[...], preferred_element_type=jnp.float32) + bxc_ref[...]

    def norm_rows(v):
        nr = jnp.sqrt(jnp.sum(v * v, axis=1, keepdims=True))
        return v / jnp.maximum(nr, 1e-12)

    n0 = norm_rows(S[:, 0:D])
    n2 = norm_rows(S[:, D:2 * D])
    n3 = norm_rows(S[:, 2 * D:3 * D])

    aux = aux_ref[...]
    nh = norm_rows(aux[0:3])

    ig = jax.nn.sigmoid(n0 + nh[0:1] + aux[3:4])
    tg = jnp.tanh(n2 + nh[1:2] + aux[4:5])
    cv = ig * tg
    og = jax.nn.sigmoid(n3 + nh[2:3] + aux[6:7] * cv + aux[5:6])
    h_ref[...] = og * jnp.tanh(cv)
    c_ref[...] = cv


def _tc_gates(X, agg, cnt, w_cat, bxc, aux):
    grid = (N // BLK,)
    return pl.pallas_call(
        _tc_gates_body,
        grid=grid,
        in_specs=[
            pl.BlockSpec((BLK, D), lambda i: (i, 0)),
            pl.BlockSpec((NC, BLK, D), lambda i: (0, i, 0)),
            pl.BlockSpec((BLK, 1), lambda i: (i, 0)),
            pl.BlockSpec((2 * D, 3 * D), lambda i: (0, 0)),
            pl.BlockSpec((1, 3 * D), lambda i: (0, 0)),
            pl.BlockSpec((8, D), lambda i: (0, 0)),
        ],
        out_specs=[
            pl.BlockSpec((BLK, D), lambda i: (i, 0)),
            pl.BlockSpec((BLK, D), lambda i: (i, 0)),
        ],
        out_shape=[
            jax.ShapeDtypeStruct((N, D), jnp.float32),
            jax.ShapeDtypeStruct((N, D), jnp.float32),
        ],
    )(X, agg, cnt, w_cat, bxc, aux)


def kernel(X, edge_index, Wx_l, Wx_r, bx, Wh_l, Wh_r, bh, w_c, b_gate):
    src = edge_index[0].astype(jnp.int32)
    dst = edge_index[1].astype(jnp.int32)

    e3 = edge_index.astype(jnp.int32).reshape(2, NW, NCHUNK, CHUNK)
    e3 = e3.transpose(1, 2, 0, 3)
    agg = _sc_segment_sum(e3, X)
    cnt = _tc_hist(dst).reshape(HROWS * D)[:N].reshape(N, 1)

    sel = jnp.array([0, 2, 3])
    wl_cat = Wx_l[sel].transpose(1, 0, 2).reshape(D, 3 * D)
    wr_cat = Wx_r[sel].transpose(1, 0, 2).reshape(D, 3 * D)
    w_cat = jnp.concatenate([wl_cat, wr_cat], axis=0)
    bxc = bx[sel].reshape(1, 3 * D)
    aux = jnp.stack([bh[0], bh[2], bh[3],
                     b_gate[0], b_gate[2], b_gate[3],
                     w_c[2], jnp.zeros_like(w_c[2])])

    H, C = _tc_gates(X, agg, cnt, w_cat, bxc, aux)
    return H, C

# --- scband reference (transcript-rebuilt; emitter-appended) ---
"""Pipeline reference for scband-gconv-lstm-31756988186753 (READ-ONLY COPY).

The authoritative reference and input builder live on the scoring server;
editing this copy changes nothing except your own understanding.
"""

import jax, jax.numpy as jnp
import numpy as np

N = 10000
E = 320000
D_IN = 128
D_OUT = 128


def setup_inputs(seed: int = 0):
    key = jax.random.key(seed)
    ks = jax.random.split(key, 8)
    X = jax.random.normal(ks[0], (N, D_IN), dtype=jnp.float32)
    edge_index = jax.random.randint(ks[1], (2, E), 0, N)
    s = 0.05
    Wx_l = jax.random.normal(ks[2], (4, D_IN, D_OUT), dtype=jnp.float32) * s
    Wx_r = jax.random.normal(ks[3], (4, D_IN, D_OUT), dtype=jnp.float32) * s
    bx = jnp.zeros((4, D_OUT), dtype=jnp.float32)
    Wh_l = jax.random.normal(ks[4], (4, D_OUT, D_OUT), dtype=jnp.float32) * s
    Wh_r = jax.random.normal(ks[5], (4, D_OUT, D_OUT), dtype=jnp.float32) * s
    bh = jnp.zeros((4, D_OUT), dtype=jnp.float32)
    w_c = jax.random.normal(ks[6], (3, D_OUT), dtype=jnp.float32) * s
    b_gate = jnp.zeros((4, D_OUT), dtype=jnp.float32)
    return {"X": X, "edge_index": edge_index, "Wx_l": Wx_l, "Wx_r": Wx_r, "bx": bx,
            "Wh_l": Wh_l, "Wh_r": Wh_r, "bh": bh, "w_c": w_c, "b_gate": b_gate}


def _sage(x, src, dst, Wl, Wr, b):
    # PyG SAGEConv with mean aggregation, root weight, bias, normalize=True
    msg = x[src]
    agg = jax.ops.segment_sum(msg, dst, num_segments=N)
    cnt = jax.ops.segment_sum(jnp.ones((src.shape[0],), x.dtype), dst, num_segments=N)
    mean = agg / jnp.maximum(cnt, 1.0)[:, None]
    out = mean @ Wl + x @ Wr + b
    nrm = jnp.linalg.norm(out, axis=-1, keepdims=True)
    return out / jnp.maximum(nrm, 1e-12)


def reference(X, edge_index, Wx_l, Wx_r, bx, Wh_l, Wh_r, bh, w_c, b_gate):
    src = edge_index[0]
    dst = edge_index[1]
    H = jnp.zeros((N, D_OUT), X.dtype)
    C = jnp.zeros((N, D_OUT), X.dtype)
    # input gate
    I = jax.nn.sigmoid(_sage(X, src, dst, Wx_l[0], Wx_r[0], bx[0])
                       + _sage(H, src, dst, Wh_l[0], Wh_r[0], bh[0])
                       + w_c[0] * C + b_gate[0])
    # forget gate
    Fg = jax.nn.sigmoid(_sage(X, src, dst, Wx_l[1], Wx_r[1], bx[1])
                        + _sage(H, src, dst, Wh_l[1], Wh_r[1], bh[1])
                        + w_c[1] * C + b_gate[1])
    # cell state
    T = jnp.tanh(_sage(X, src, dst, Wx_l[2], Wx_r[2], bx[2])
                 + _sage(H, src, dst, Wh_l[2], Wh_r[2], bh[2])
                 + b_gate[2])
    C = Fg * C + I * T
    # output gate
    O = jax.nn.sigmoid(_sage(X, src, dst, Wx_l[3], Wx_r[3], bx[3])
                       + _sage(H, src, dst, Wh_l[3], Wh_r[3], bh[3])
                       + w_c[2] * C + b_gate[3])
    H = O * jnp.tanh(C)
    return H, C

if __name__ == "__main__":
    import jax
    _d = setup_inputs()
    print(jax.jit(kernel)(*tuple(_d.values())))

</pallas_src>

<mosaic_0001>
#map = affine_map<(d0, d1) -> (0, 0, 0, 0)>
#map1 = affine_map<(d0, d1) -> (0, 0)>
#map2 = affine_map<(d0, d1) -> (0, 0, 0)>
module attributes {stable_mosaic.version = 14 : i64} {
  func.func @seg(%arg0: i32, %arg1: i32, %arg2: memref<32x125x2x80xi32, #tpu.memory_space<hbm>>, %arg3: memref<10000x128xf32, #tpu.memory_space<hbm>>, %arg4: memref<2x10000x128xf32, #tpu.memory_space<hbm>>, %arg5: memref<2x2x80xi32, #tpu.memory_space<vmem>>, %arg6: memref<2x80x128xf32, #tpu.memory_space<vmem>>, %arg7: memref<8x128xf32, #tpu.memory_space<vmem>>, %arg8: memref<10000x128xf32, #tpu.memory_space<vmem_shared>>, %arg9: memref<!tpu.dma_semaphore, #tpu.memory_space<semaphore_mem>>, %arg10: memref<!tpu.dma_semaphore, #tpu.memory_space<semaphore_mem>>, %arg11: memref<!tpu.dma_semaphore, #tpu.memory_space<semaphore_mem>>) attributes {dimension_semantics = [#tpu.dimension_semantics<core_parallel>, #tpu.dimension_semantics<subcore_parallel>], iteration_bounds = array<i64: 2, 16>, scalar_prefetch = 0 : i64, scratch_operands = 7 : i64, tpu.core_type = #tpu.core_type<sc_vector_subcore>, window_params = [{transform_indices = #map}, {transform_indices = #map1}, {transform_indices = #map2}]} {
    %mul3A = arith.constant 16 : i32
    %mul3A_0 = arith.muli %arg0, %mul3A : i32
    %add3A = arith.addi %mul3A_0, %arg1 : i32
    %broadcast_in_dim3A = arith.constant 0.000000e+00 : f32
    %broadcast_in_dim3A_1 = vector.broadcast %broadcast_in_dim3A : f32 to vector<16xf32>
    %swap3A = arith.constant 0 : i32
    %swap3A_2 = arith.index_cast %swap3A : i32 to index
    %swap3A_3 = arith.constant 0 : index
    %swap3A_4 = tpu.vector_load %arg7[%swap3A_2, %swap3A_3] {strides = array<i32>} : memref<8x128xf32, #tpu.memory_space<vmem>>, vector<1x16xf32>,
    %swap3A_5 = vector.shape_cast %swap3A_4 : vector<1x16xf32> to vector<16xf32>
    %swap3A_6 = vector.shape_cast %broadcast_in_dim3A_1 : vector<16xf32> to vector<1x16xf32>
    tpu.vector_store %arg7[%swap3A_2, %swap3A_3], %swap3A_6 {strides = array<i32>} : memref<8x128xf32, #tpu.memory_space<vmem>>, vector<1x16xf32>,
    %swap3A_7 = arith.constant 0 : i32
    %swap3A_8 = arith.index_cast %swap3A_7 : i32 to index
    %swap3A_9 = arith.constant 16 : index
    %swap3A_10 = tpu.vector_load %arg7[%swap3A_8, %swap3A_9] {strides = array<i32>} : memref<8x128xf32, #tpu.memory_space<vmem>>, vector<1x16xf32>,
    %swap3A_11 = vector.shape_cast %swap3A_10 : vector<1x16xf32> to vector<16xf32>
    %swap3A_12 = vector.shape_cast %broadcast_in_dim3A_1 : vector<16xf32> to vector<1x16xf32>
    tpu.vector_store %arg7[%swap3A_8, %swap3A_9], %swap3A_12 {strides = array<i32>} : memref<8x128xf32, #tpu.memory_space<vmem>>, vector<1x16xf32>,
    %swap3A_13 = arith.constant 0 : i32
    %swap3A_14 = arith.index_cast %swap3A_13 : i32 to index
    %swap3A_15 = arith.constant 32 : index
    %swap3A_16 = tpu.vector_load %arg7[%swap3A_14, %swap3A_15] {strides = array<i32>} : memref<8x128xf32, #tpu.memory_space<vmem>>, vector<1x16xf32>,
    %swap3A_17 = vector.shape_cast %swap3A_16 : vector<1x16xf32> to vector<16xf32>
    %swap3A_18 = vector.shape_cast %broadcast_in_dim3A_1 : vector<16xf32> to vector<1x16xf32>
    tpu.vector_store %arg7[%swap3A_14, %swap3A_15], %swap3A_18 {strides = array<i32>} : memref<8x128xf32, #tpu.memory_space<vmem>>, vector<1x16xf32>,
    %swap3A_19 = arith.constant 0 : i32
    %swap3A_20 = arith.index_cast %swap3A_19 : i32 to index
    %swap3A_21 = arith.constant 48 : index
    %swap3A_22 = tpu.vector_load %arg7[%swap3A_20, %swap3A_21] {strides = array<i32>} : memref<8x128xf32, #tpu.memory_space<vmem>>, vector<1x16xf32>,
    %swap3A_23 = vector.shape_cast %swap3A_22 : vector<1x16xf32> to vector<16xf32>
    %swap3A_24 = vector.shape_cast %broadcast_in_dim3A_1 : vector<16xf32> to vector<1x16xf32>
    tpu.vector_store %arg7[%swap3A_20, %swap3A_21], %swap3A_24 {strides = array<i32>} : memref<8x128xf32, #tpu.memory_space<vmem>>, vector<1x16xf32>,
    %swap3A_25 = arith.constant 0 : i32
    %swap3A_26 = arith.index_cast %swap3A_25 : i32 to index
    %swap3A_27 = arith.constant 64 : index
    %swap3A_28 = tpu.vector_load %arg7[%swap3A_26, %swap3A_27] {strides = array<i32>} : memref<8x128xf32, #tpu.memory_space<vmem>>, vector<1x16xf32>,
    %swap3A_29 = vector.shape_cast %swap3A_28 : vector<1x16xf32> to vector<16xf32>
    %swap3A_30 = vector.shape_cast %broadcast_in_dim3A_1 : vector<16xf32> to vector<1x16xf32>
    tpu.vector_store %arg7[%swap3A_26, %swap3A_27], %swap3A_30 {strides = array<i32>} : memref<8x128xf32, #tpu.memory_space<vmem>>, vector<1x16xf32>,
    %swap3A_31 = arith.constant 0 : i32
    %swap3A_32 = arith.index_cast %swap3A_31 : i32 to index
    %swap3A_33 = arith.constant 80 : index
    %swap3A_34 = tpu.vector_load %arg7[%swap3A_32, %swap3A_33] {strides = array<i32>} : memref<8x128xf32, #tpu.memory_space<vmem>>, vector<1x16xf32>,
    %swap3A_35 = vector.shape_cast %swap3A_34 : vector<1x16xf32> to vector<16xf32>
    %swap3A_36 = vector.shape_cast %broadcast_in_dim3A_1 : vector<16xf32> to vector<1x16xf32>
    tpu.vector_store %arg7[%swap3A_32, %swap3A_33], %swap3A_36 {strides = array<i32>} : memref<8x128xf32, #tpu.memory_space<vmem>>, vector<1x16xf32>,
    %swap3A_37 = arith.constant 0 : i32
    %swap3A_38 = arith.index_cast %swap3A_37 : i32 to index
    %swap3A_39 = arith.constant 96 : index
    %swap3A_40 = tpu.vector_load %arg7[%swap3A_38, %swap3A_39] {strides = array<i32>} : memref<8x128xf32, #tpu.memory_space<vmem>>, vector<1x16xf32>,
    %swap3A_41 = vector.shape_cast %swap3A_40 : vector<1x16xf32> to vector<16xf32>
    %swap3A_42 = vector.shape_cast %broadcast_in_dim3A_1 : vector<16xf32> to vector<1x16xf32>
    tpu.vector_store %arg7[%swap3A_38, %swap3A_39], %swap3A_42 {strides = array<i32>} : memref<8x128xf32, #tpu.memory_space<vmem>>, vector<1x16xf32>,
    %swap3A_43 = arith.constant 0 : i32
    %swap3A_44 = arith.index_cast %swap3A_43 : i32 to index
    %swap3A_45 = arith.constant 112 : index
    %swap3A_46 = tpu.vector_load %arg7[%swap3A_44, %swap3A_45] {strides = array<i32>} : memref<8x128xf32, #tpu.memory_space<vmem>>, vector<1x16xf32>,
    %swap3A_47 = vector.shape_cast %swap3A_46 : vector<1x16xf32> to vector<16xf32>
    %swap3A_48 = vector.shape_cast %broadcast_in_dim3A_1 : vector<16xf32> to vector<1x16xf32>
    tpu.vector_store %arg7[%swap3A_44, %swap3A_45], %swap3A_48 {strides = array<i32>} : memref<8x128xf32, #tpu.memory_space<vmem>>, vector<1x16xf32>,
    %swap3A_49 = arith.constant 1 : i32
    %swap3A_50 = arith.index_cast %swap3A_49 : i32 to index
    %swap3A_51 = arith.constant 0 : index
    %swap3A_52 = tpu.vector_load %arg7[%swap3A_50, %swap3A_51] {strides = array<i32>} : memref<8x128xf32, #tpu.memory_space<vmem>>, vector<1x16xf32>,
    %swap3A_53 = vector.shape_cast %swap3A_52 : vector<1x16xf32> to vector<16xf32>
    %swap3A_54 = vector.shape_cast %broadcast_in_dim3A_1 : vector<16xf32> to vector<1x16xf32>
    tpu.vector_store %arg7[%swap3A_50, %swap3A_51], %swap3A_54 {strides = array<i32>} : memref<8x128xf32, #tpu.memory_space<vmem>>, vector<1x16xf32>,
    %swap3A_55 = arith.constant 1 : i32
    %swap3A_56 = arith.index_cast %swap3A_55 : i32 to index
    %swap3A_57 = arith.constant 16 : index
    %swap3A_58 = tpu.vector_load %arg7[%swap3A_56, %swap3A_57] {strides = array<i32>} : memref<8x128xf32, #tpu.memory_space<vmem>>, vector<1x16xf32>,
    %swap3A_59 = vector.shape_cast %swap3A_58 : vector<1x16xf32> to vector<16xf32>
    %swap3A_60 = vector.shape_cast %broadcast_in_dim3A_1 : vector<16xf32> to vector<1x16xf32>
    tpu.vector_store %arg7[%swap3A_56, %swap3A_57], %swap3A_60 {strides = array<i32>} : memref<8x128xf32, #tpu.memory_space<vmem>>, vector<1x16xf32>,
    %swap3A_61 = arith.constant 1 : i32
    %swap3A_62 = arith.index_cast %swap3A_61 : i32 to index
    %swap3A_63 = arith.constant 32 : index
    %swap3A_64 = tpu.vector_load %arg7[%swap3A_62, %swap3A_63] {strides = array<i32>} : memref<8x128xf32, #tpu.memory_space<vmem>>, vector<1x16xf32>,
    %swap3A_65 = vector.shape_cast %swap3A_64 : vector<1x16xf32> to vector<16xf32>
    %swap3A_66 = vector.shape_cast %broadcast_in_dim3A_1 : vector<16xf32> to vector<1x16xf32>
    tpu.vector_store %arg7[%swap3A_62, %swap3A_63], %swap3A_66 {strides = array<i32>} : memref<8x128xf32, #tpu.memory_space<vmem>>, vector<1x16xf32>,
    %swap3A_67 = arith.constant 1 : i32
    %swap3A_68 = arith.index_cast %swap3A_67 : i32 to index
    %swap3A_69 = arith.constant 48 : index
    %swap3A_70 = tpu.vector_load %arg7[%swap3A_68, %swap3A_69] {strides = array<i32>} : memref<8x128xf32, #tpu.memory_space<vmem>>, vector<1x16xf32>,
    %swap3A_71 = vector.shape_cast %swap3A_70 : vector<1x16xf32> to vector<16xf32>
    %swap3A_72 = vector.shape_cast %broadcast_in_dim3A_1 : vector<16xf32> to vector<1x16xf32>
    tpu.vector_store %arg7[%swap3A_68, %swap3A_69], %swap3A_72 {strides = array<i32>} : memref<8x128xf32, #tpu.memory_space<vmem>>, vector<1x16xf32>,
    %swap3A_73 = arith.constant 1 : i32
    %swap3A_74 = arith.index_cast %swap3A_73 : i32 to index
    %swap3A_75 = arith.constant 64 : index
    %swap3A_76 = tpu.vector_load %arg7[%swap3A_74, %swap3A_75] {strides = array<i32>} : memref<8x128xf32, #tpu.memory_space<vmem>>, vector<1x16xf32>,
    %swap3A_77 = vector.shape_cast %swap3A_76 : vector<1x16xf32> to vector<16xf32>
    %swap3A_78 = vector.shape_cast %broadcast_in_dim3A_1 : vector<16xf32> to vector<1x16xf32>
    tpu.vector_store %arg7[%swap3A_74, %swap3A_75], %swap3A_78 {strides = array<i32>} : memref<8x128xf32, #tpu.memory_space<vmem>>, vector<1x16xf32>,
    %swap3A_79 = arith.constant 1 : i32
    %swap3A_80 = arith.index_cast %swap3A_79 : i32 to index
    %swap3A_81 = arith.constant 80 : index
    %swap3A_82 = tpu.vector_load %arg7[%swap3A_80, %swap3A_81] {strides = array<i32>} : memref<8x128xf32, #tpu.memory_space<vmem>>, vector<1x16xf32>,
    %swap3A_83 = vector.shape_cast %swap3A_82 : vector<1x16xf32> to vector<16xf32>
    %swap3A_84 = vector.shape_cast %broadcast_in_dim3A_1 : vector<16xf32> to vector<1x16xf32>
    tpu.vector_store %arg7[%swap3A_80, %swap3A_81], %swap3A_84 {strides = array<i32>} : memref<8x128xf32, #tpu.memory_space<vmem>>, vector<1x16xf32>,
    %swap3A_85 = arith.constant 1 : i32
    %swap3A_86 = arith.index_cast %swap3A_85 : i32 to index
    %swap3A_87 = arith.constant 96 : index
    %swap3A_88 = tpu.vector_load %arg7[%swap3A_86, %swap3A_87] {strides = array<i32>} : memref<8x128xf32, #tpu.memory_space<vmem>>, vector<1x16xf32>,
    %swap3A_89 = vector.shape_cast %swap3A_88 : vector<1x16xf32> to vector<16xf32>
    %swap3A_90 = vector.shape_cast %broadcast_in_dim3A_1 : vector<16xf32> to vector<1x16xf32>
    tpu.vector_store %arg7[%swap3A_86, %swap3A_87], %swap3A_90 {strides = array<i32>} : memref<8x128xf32, #tpu.memory_space<vmem>>, vector<1x16xf32>,
    %swap3A_91 = arith.constant 1 : i32
    %swap3A_92 = arith.index_cast %swap3A_91 : i32 to index
    %swap3A_93 = arith.constant 112 : index
    %swap3A_94 = tpu.vector_load %arg7[%swap3A_92, %swap3A_93] {strides = array<i32>} : memref<8x128xf32, #tpu.memory_space<vmem>>, vector<1x16xf32>,
    %swap3A_95 = vector.shape_cast %swap3A_94 : vector<1x16xf32> to vector<16xf32>
    %swap3A_96 = vector.shape_cast %broadcast_in_dim3A_1 : vector<16xf32> to vector<1x16xf32>
    tpu.vector_store %arg7[%swap3A_92, %swap3A_93], %swap3A_96 {strides = array<i32>} : memref<8x128xf32, #tpu.memory_space<vmem>>, vector<1x16xf32>,
    %swap3A_97 = arith.constant 2 : i32
    %swap3A_98 = arith.index_cast %swap3A_97 : i32 to index
    %swap3A_99 = arith.constant 0 : index
    %swap3A_100 = tpu.vector_load %arg7[%swap3A_98, %swap3A_99] {strides = array<i32>} : memref<8x128xf32, #tpu.memory_space<vmem>>, vector<1x16xf32>,
    %swap3A_101 = vector.shape_cast %swap3A_100 : vector<1x16xf32> to vector<16xf32>
    %swap3A_102 = vector.shape_cast %broadcast_in_dim3A_1 : vector<16xf32> to vector<1x16xf32>
    tpu.vector_store %arg7[%swap3A_98, %swap3A_99], %swap3A_102 {strides = array<i32>} : memref<8x128xf32, #tpu.memory_space<vmem>>, vector<1x16xf32>,
    %swap3A_103 = arith.constant 2 : i32
    %swap3A_104 = arith.index_cast %swap3A_103 : i32 to index
    %swap3A_105 = arith.constant 16 : index
    %swap3A_106 = tpu.vector_load %arg7[%swap3A_104, %swap3A_105] {strides = array<i32>} : memref<8x128xf32, #tpu.memory_space<vmem>>, vector<1x16xf32>,
    %swap3A_107 = vector.shape_cast %swap3A_106 : vector<1x16xf32> to vector<16xf32>
    %swap3A_108 = vector.shape_cast %broadcast_in_dim3A_1 : vector<16xf32> to vector<1x16xf32>
    tpu.vector_store %arg7[%swap3A_104, %swap3A_105], %swap3A_108 {strides = array<i32>} : memref<8x128xf32, #tpu.memory_space<vmem>>, vector<1x16xf32>,
    %swap3A_109 = arith.constant 2 : i32
    %swap3A_110 = arith.index_cast %swap3A_109 : i32 to index
    %swap3A_111 = arith.constant 32 : index
    %swap3A_112 = tpu.vector_load %arg7[%swap3A_110, %swap3A_111] {strides = array<i32>} : memref<8x128xf32, #tpu.memory_space<vmem>>, vector<1x16xf32>,
    %swap3A_113 = vector.shape_cast %swap3A_112 : vector<1x16xf32> to vector<16xf32>
    %swap3A_114 = vector.shape_cast %broadcast_in_dim3A_1 : vector<16xf32> to vector<1x16xf32>
    tpu.vector_store %arg7[%swap3A_110, %swap3A_111], %swap3A_114 {strides = array<i32>} : memref<8x128xf32, #tpu.memory_space<vmem>>, vector<1x16xf32>,
    %swap3A_115 = arith.constant 2 : i32
    %swap3A_116 = arith.index_cast %swap3A_115 : i32 to index
    %swap3A_117 = arith.constant 48 : index
    %swap3A_118 = tpu.vector_load %arg7[%swap3A_116, %swap3A_117] {strides = array<i32>} : memref<8x128xf32, #tpu.memory_space<vmem>>, vector<1x16xf32>,
    %swap3A_119 = vector.shape_cast %swap3A_118 : vector<1x16xf32> to vector<16xf32>
    %swap3A_120 = vector.shape_cast %broadcast_in_dim3A_1 : vector<16xf32> to vector<1x16xf32>
    tpu.vector_store %arg7[%swap3A_116, %swap3A_117], %swap3A_120 {strides = array<i32>} : memref<8x128xf32, #tpu.memory_space<vmem>>, vector<1x16xf32>,
    %swap3A_121 = arith.constant 2 : i32
    %swap3A_122 = arith.index_cast %swap3A_121 : i32 to index
    %swap3A_123 = arith.constant 64 : index
    %swap3A_124 = tpu.vector_load %arg7[%swap3A_122, %swap3A_123] {strides = array<i32>} : memref<8x128xf32, #tpu.memory_space<vmem>>, vector<1x16xf32>,
    %swap3A_125 = vector.shape_cast %swap3A_124 : vector<1x16xf32> to vector<16xf32>
    %swap3A_126 = vector.shape_cast %broadcast_in_dim3A_1 : vector<16xf32> to vector<1x16xf32>
    tpu.vector_store %arg7[%swap3A_122, %swap3A_123], %swap3A_126 {strides = array<i32>} : memref<8x128xf32, #tpu.memory_space<vmem>>, vector<1x16xf32>,
    %swap3A_127 = arith.constant 2 : i32
    %swap3A_128 = arith.index_cast %swap3A_127 : i32 to index
    %swap3A_129 = arith.constant 80 : index
    %swap3A_130 = tpu.vector_load %arg7[%swap3A_128, %swap3A_129] {strides = array<i32>} : memref<8x128xf32, #tpu.memory_space<vmem>>, vector<1x16xf32>,
    %swap3A_131 = vector.shape_cast %swap3A_130 : vector<1x16xf32> to vector<16xf32>
    %swap3A_132 = vector.shape_cast %broadcast_in_dim3A_1 : vector<16xf32> to vector<1x16xf32>
    tpu.vector_store %arg7[%swap3A_128, %swap3A_129], %swap3A_132 {strides = array<i32>} : memref<8x128xf32, #tpu.memory_space<vmem>>, vector<1x16xf32>,
    %swap3A_133 = arith.constant 2 : i32
    %swap3A_134 = arith.index_cast %swap3A_133 : i32 to index
    %swap3A_135 = arith.constant 96 : index
    %swap3A_136 = tpu.vector_load %arg7[%swap3A_134, %swap3A_135] {strides = array<i32>} : memref<8x128xf32, #tpu.memory_space<vmem>>, vector<1x16xf32>,
    %swap3A_137 = vector.shape_cast %swap3A_136 : vector<1x16xf32> to vector<16xf32>
    %swap3A_138 = vector.shape_cast %broadcast_in_dim3A_1 : vector<16xf32> to vector<1x16xf32>
    tpu.vector_store %arg7[%swap3A_134, %swap3A_135], %swap3A_138 {strides = array<i32>} : memref<8x128xf32, #tpu.memory_space<vmem>>, vector<1x16xf32>,
    %swap3A_139 = arith.constant 2 : i32
    %swap3A_140 = arith.index_cast %swap3A_139 : i32 to index
    %swap3A_141 = arith.constant 112 : index
    %swap3A_142 = tpu.vector_load %arg7[%swap3A_140, %swap3A_141] {strides = array<i32>} : memref<8x128xf32, #tpu.memory_space<vmem>>, vector<1x16xf32>,
    %swap3A_143 = vector.shape_cast %swap3A_142 : vector<1x16xf32> to vector<16xf32>
    %swap3A_144 = vector.shape_cast %broadcast_in_dim3A_1 : vector<16xf32> to vector<1x16xf32>
    tpu.vector_store %arg7[%swap3A_140, %swap3A_141], %swap3A_144 {strides = array<i32>} : memref<8x128xf32, #tpu.memory_space<vmem>>, vector<1x16xf32>,
    %swap3A_145 = arith.constant 3 : i32
    %swap3A_146 = arith.index_cast %swap3A_145 : i32 to index
    %swap3A_147 = arith.constant 0 : index
    %swap3A_148 = tpu.vector_load %arg7[%swap3A_146, %swap3A_147] {strides = array<i32>} : memref<8x128xf32, #tpu.memory_space<vmem>>, vector<1x16xf32>,
    %swap3A_149 = vector.shape_cast %swap3A_148 : vector<1x16xf32> to vector<16xf32>
    %swap3A_150 = vector.shape_cast %broadcast_in_dim3A_1 : vector<16xf32> to vector<1x16xf32>
    tpu.vector_store %arg7[%swap3A_146, %swap3A_147], %swap3A_150 {strides = array<i32>} : memref<8x128xf32, #tpu.memory_space<vmem>>, vector<1x16xf32>,
    %swap3A_151 = arith.constant 3 : i32
    %swap3A_152 = arith.index_cast %swap3A_151 : i32 to index
    %swap3A_153 = arith.constant 16 : index
    %swap3A_154 = tpu.vector_load %arg7[%swap3A_152, %swap3A_153] {strides = array<i32>} : memref<8x128xf32, #tpu.memory_space<vmem>>, vector<1x16xf32>,
    %swap3A_155 = vector.shape_cast %swap3A_154 : vector<1x16xf32> to vector<16xf32>
    %swap3A_156 = vector.shape_cast %broadcast_in_dim3A_1 : vector<16xf32> to vector<1x16xf32>
    tpu.vector_store %arg7[%swap3A_152, %swap3A_153], %swap3A_156 {strides = array<i32>} : memref<8x128xf32, #tpu.memory_space<vmem>>, vector<1x16xf32>,
    %swap3A_157 = arith.constant 3 : i32
    %swap3A_158 = arith.index_cast %swap3A_157 : i32 to index
    %swap3A_159 = arith.constant 32 : index
    %swap3A_160 = tpu.vector_load %arg7[%swap3A_158, %swap3A_159] {strides = array<i32>} : memref<8x128xf32, #tpu.memory_space<vmem>>, vector<1x16xf32>,
    %swap3A_161 = vector.shape_cast %swap3A_160 : vector<1x16xf32> to vector<16xf32>
    %swap3A_162 = vector.shape_cast %broadcast_in_dim3A_1 : vector<16xf32> to vector<1x16xf32>
    tpu.vector_store %arg7[%swap3A_158, %swap3A_159], %swap3A_162 {strides = array<i32>} : memref<8x128xf32, #tpu.memory_space<vmem>>, vector<1x16xf32>,
    %swap3A_163 = arith.constant 3 : i32
    %swap3A_164 = arith.index_cast %swap3A_163 : i32 to index
    %swap3A_165 = arith.constant 48 : index
    %swap3A_166 = tpu.vector_load %arg7[%swap3A_164, %swap3A_165] {strides = array<i32>} : memref<8x128xf32, #tpu.memory_space<vmem>>, vector<1x16xf32>,
    %swap3A_167 = vector.shape_cast %swap3A_166 : vector<1x16xf32> to vector<16xf32>
    %swap3A_168 = vector.shape_cast %broadcast_in_dim3A_1 : vector<16xf32> to vector<1x16xf32>
    tpu.vector_store %arg7[%swap3A_164, %swap3A_165], %swap3A_168 {strides = array<i32>} : memref<8x128xf32, #tpu.memory_space<vmem>>, vector<1x16xf32>,
    %swap3A_169 = arith.constant 3 : i32
    %swap3A_170 = arith.index_cast %swap3A_169 : i32 to index
    %swap3A_171 = arith.constant 64 : index
    %swap3A_172 = tpu.vector_load %arg7[%swap3A_170, %swap3A_171] {strides = array<i32>} : memref<8x128xf32, #tpu.memory_space<vmem>>, vector<1x16xf32>,
    %swap3A_173 = vector.shape_cast %swap3A_172 : vector<1x16xf32> to vector<16xf32>
    %swap3A_174 = vector.shape_cast %broadcast_in_dim3A_1 : vector<16xf32> to vector<1x16xf32>
    tpu.vector_store %arg7[%swap3A_170, %swap3A_171], %swap3A_174 {strides = array<i32>} : memref<8x128xf32, #tpu.memory_space<vmem>>, vector<1x16xf32>,
    %swap3A_175 = arith.constant 3 : i32
    %swap3A_176 = arith.index_cast %swap3A_175 : i32 to index
    %swap3A_177 = arith.constant 80 : index
    %swap3A_178 = tpu.vector_load %arg7[%swap3A_176, %swap3A_177] {strides = array<i32>} : memref<8x128xf32, #tpu.memory_space<vmem>>, vector<1x16xf32>,
    %swap3A_179 = vector.shape_cast %swap3A_178 : vector<1x16xf32> to vector<16xf32>
    %swap3A_180 = vector.shape_cast %broadcast_in_dim3A_1 : vector<16xf32> to vector<1x16xf32>
    tpu.vector_store %arg7[%swap3A_176, %swap3A_177], %swap3A_180 {strides = array<i32>} : memref<8x128xf32, #tpu.memory_space<vmem>>, vector<1x16xf32>,
    %swap3A_181 = arith.constant 3 : i32
    %swap3A_182 = arith.index_cast %swap3A_181 : i32 to index
    %swap3A_183 = arith.constant 96 : index
    %swap3A_184 = tpu.vector_load %arg7[%swap3A_182, %swap3A_183] {strides = array<i32>} : memref<8x128xf32, #tpu.memory_space<vmem>>, vector<1x16xf32>,
    %swap3A_185 = vector.shape_cast %swap3A_184 : vector<1x16xf32> to vector<16xf32>
    %swap3A_186 = vector.shape_cast %broadcast_in_dim3A_1 : vector<16xf32> to vector<1x16xf32>
    tpu.vector_store %arg7[%swap3A_182, %swap3A_183], %swap3A_186 {strides = array<i32>} : memref<8x128xf32, #tpu.memory_space<vmem>>, vector<1x16xf32>,
    %swap3A_187 = arith.constant 3 : i32
    %swap3A_188 = arith.index_cast %swap3A_187 : i32 to index
    %swap3A_189 = arith.constant 112 : index
    %swap3A_190 = tpu.vector_load %arg7[%swap3A_188, %swap3A_189] {strides = array<i32>} : memref<8x128xf32, #tpu.memory_space<vmem>>, vector<1x16xf32>,
    %swap3A_191 = vector.shape_cast %swap3A_190 : vector<1x16xf32> to vector<16xf32>
    %swap3A_192 = vector.shape_cast %broadcast_in_dim3A_1 : vector<16xf32> to vector<1x16xf32>
    tpu.vector_store %arg7[%swap3A_188, %swap3A_189], %swap3A_192 {strides = array<i32>} : memref<8x128xf32, #tpu.memory_space<vmem>>, vector<1x16xf32>,
    %swap3A_193 = arith.constant 4 : i32
    %swap3A_194 = arith.index_cast %swap3A_193 : i32 to index
    %swap3A_195 = arith.constant 0 : index
    %swap3A_196 = tpu.vector_load %arg7[%swap3A_194, %swap3A_195] {strides = array<i32>} : memref<8x128xf32, #tpu.memory_space<vmem>>, vector<1x16xf32>,
    %swap3A_197 = vector.shape_cast %swap3A_196 : vector<1x16xf32> to vector<16xf32>
    %swap3A_198 = vector.shape_cast %broadcast_in_dim3A_1 : vector<16xf32> to vector<1x16xf32>
    tpu.vector_store %arg7[%swap3A_194, %swap3A_195], %swap3A_198 {strides = array<i32>} : memref<8x128xf32, #tpu.memory_space<vmem>>, vector<1x16xf32>,
    %swap3A_199 = arith.constant 4 : i32
    %swap3A_200 = arith.index_cast %swap3A_199 : i32 to index
    %swap3A_201 = arith.constant 16 : index
    %swap3A_202 = tpu.vector_load %arg7[%swap3A_200, %swap3A_201] {strides = array<i32>} : memref<8x128xf32, #tpu.memory_space<vmem>>, vector<1x16xf32>,
    %swap3A_203 = vector.shape_cast %swap3A_202 : vector<1x16xf32> to vector<16xf32>
    %swap3A_204 = vector.shape_cast %broadcast_in_dim3A_1 : vector<16xf32> to vector<1x16xf32>
    tpu.vector_store %arg7[%swap3A_200, %swap3A_201], %swap3A_204 {strides = array<i32>} : memref<8x128xf32, #tpu.memory_space<vmem>>, vector<1x16xf32>,
    %swap3A_205 = arith.constant 4 : i32
    %swap3A_206 = arith.index_cast %swap3A_205 : i32 to index
    %swap3A_207 = arith.constant 32 : index
    %swap3A_208 = tpu.vector_load %arg7[%swap3A_206, %swap3A_207] {strides = array<i32>} : memref<8x128xf32, #tpu.memory_space<vmem>>, vector<1x16xf32>,
    %swap3A_209 = vector.shape_cast %swap3A_208 : vector<1x16xf32> to vector<16xf32>
    %swap3A_210 = vector.shape_cast %broadcast_in_dim3A_1 : vector<16xf32> to vector<1x16xf32>
    tpu.vector_store %arg7[%swap3A_206, %swap3A_207], %swap3A_210 {strides = array<i32>} : memref<8x128xf32, #tpu.memory_space<vmem>>, vector<1x16xf32>,
    %swap3A_211 = arith.constant 4 : i32
    %swap3A_212 = arith.index_cast %swap3A_211 : i32 to index
    %swap3A_213 = arith.constant 48 : index
    %swap3A_214 = tpu.vector_load %arg7[%swap3A_212, %swap3A_213] {strides = array<i32>} : memref<8x128xf32, #tpu.memory_space<vmem>>, vector<1x16xf32>,
    %swap3A_215 = vector.shape_cast %swap3A_214 : vector<1x16xf32> to vector<16xf32>
    %swap3A_216 = vector.shape_cast %broadcast_in_dim3A_1 : vector<16xf32> to vector<1x16xf32>
    tpu.vector_store %arg7[%swap3A_212, %swap3A_213], %swap3A_216 {strides = array<i32>} : memref<8x128xf32, #tpu.memory_space<vmem>>, vector<1x16xf32>,
    %swap3A_217 = arith.constant 4 : i32
    %swap3A_218 = arith.index_cast %swap3A_217 : i32 to index
    %swap3A_219 = arith.constant 64 : index
    %swap3A_220 = tpu.vector_load %arg7[%swap3A_218, %swap3A_219] {strides = array<i32>} : memref<8x128xf32, #tpu.memory_space<vmem>>, vector<1x16xf32>,
    %swap3A_221 = vector.shape_cast %swap3A_220 : vector<1x16xf32> to vector<16xf32>
    %swap3A_222 = vector.shape_cast %broadcast_in_dim3A_1 : vector<16xf32> to vector<1x16xf32>
    tpu.vector_store %arg7[%swap3A_218, %swap3A_219], %swap3A_222 {strides = array<i32>} : memref<8x128xf32, #tpu.memory_space<vmem>>, vector<1x16xf32>,
    %swap3A_223 = arith.constant 4 : i32
    %swap3A_224 = arith.index_cast %swap3A_223 : i32 to index
    %swap3A_225 = arith.constant 80 : index
    %swap3A_226 = tpu.vector_load %arg7[%swap3A_224, %swap3A_225] {strides = array<i32>} : memref<8x128xf32, #tpu.memory_space<vmem>>, vector<1x16xf32>,
    %swap3A_227 = vector.shape_cast %swap3A_226 : vector<1x16xf32> to vector<16xf32>
    %swap3A_228 = vector.shape_cast %broadcast_in_dim3A_1 : vector<16xf32> to vector<1x16xf32>
    tpu.vector_store %arg7[%swap3A_224, %swap3A_225], %swap3A_228 {strides = array<i32>} : memref<8x128xf32, #tpu.memory_space<vmem>>, vector<1x16xf32>,
    %swap3A_229 = arith.constant 4 : i32
    %swap3A_230 = arith.index_cast %swap3A_229 : i32 to index
    %swap3A_231 = arith.constant 96 : index
    %swap3A_232 = tpu.vector_load %arg7[%swap3A_230, %swap3A_231] {strides = array<i32>} : memref<8x128xf32, #tpu.memory_space<vmem>>, vector<1x16xf32>,
    %swap3A_233 = vector.shape_cast %swap3A_232 : vector<1x16xf32> to vector<16xf32>
    %swap3A_234 = vector.shape_cast %broadcast_in_dim3A_1 : vector<16xf32> to vector<1x16xf32>
    tpu.vector_store %arg7[%swap3A_230, %swap3A_231], %swap3A_234 {strides = array<i32>} : memref<8x128xf32, #tpu.memory_space<vmem>>, vector<1x16xf32>,
    %swap3A_235 = arith.constant 4 : i32
    %swap3A_236 = arith.index_cast %swap3A_235 : i32 to index
    %swap3A_237 = arith.constant 112 : index
    %swap3A_238 = tpu.vector_load %arg7[%swap3A_236, %swap3A_237] {strides = array<i32>} : memref<8x128xf32, #tpu.memory_space<vmem>>, vector<1x16xf32>,
    %swap3A_239 = vector.shape_cast %swap3A_238 : vector<1x16xf32> to vector<16xf32>
    %swap3A_240 = vector.shape_cast %broadcast_in_dim3A_1 : vector<16xf32> to vector<1x16xf32>
    tpu.vector_store %arg7[%swap3A_236, %swap3A_237], %swap3A_240 {strides = array<i32>} : memref<8x128xf32, #tpu.memory_space<vmem>>, vector<1x16xf32>,
    %swap3A_241 = arith.constant 5 : i32
    %swap3A_242 = arith.index_cast %swap3A_241 : i32 to index
    %swap3A_243 = arith.constant 0 : index
    %swap3A_244 = tpu.vector_load %arg7[%swap3A_242, %swap3A_243] {strides = array<i32>} : memref<8x128xf32, #tpu.memory_space<vmem>>, vector<1x16xf32>,
    %swap3A_245 = vector.shape_cast %swap3A_244 : vector<1x16xf32> to vector<16xf32>
    %swap3A_246 = vector.shape_cast %broadcast_in_dim3A_1 : vector<16xf32> to vector<1x16xf32>
    tpu.vector_store %arg7[%swap3A_242, %swap3A_243], %swap3A_246 {strides = array<i32>} : memref<8x128xf32, #tpu.memory_space<vmem>>, vector<1x16xf32>,
    %swap3A_247 = arith.constant 5 : i32
    %swap3A_248 = arith.index_cast %swap3A_247 : i32 to index
    %swap3A_249 = arith.constant 16 : index
    %swap3A_250 = tpu.vector_load %arg7[%swap3A_248, %swap3A_249] {strides = array<i32>} : memref<8x128xf32, #tpu.memory_space<vmem>>, vector<1x16xf32>,
    %swap3A_251 = vector.shape_cast %swap3A_250 : vector<1x16xf32> to vector<16xf32>
    %swap3A_252 = vector.shape_cast %broadcast_in_dim3A_1 : vector<16xf32> to vector<1x16xf32>
    tpu.vector_store %arg7[%swap3A_248, %swap3A_249], %swap3A_252 {strides = array<i32>} : memref<8x128xf32, #tpu.memory_space<vmem>>, vector<1x16xf32>,
    %swap3A_253 = arith.constant 5 : i32
    %swap3A_254 = arith.index_cast %swap3A_253 : i32 to index
    %swap3A_255 = arith.constant 32 : index
    %swap3A_256 = tpu.vector_load %arg7[%swap3A_254, %swap3A_255] {strides = array<i32>} : memref<8x128xf32, #tpu.memory_space<vmem>>, vector<1x16xf32>,
    %swap3A_257 = vector.shape_cast %swap3A_256 : vector<1x16xf32> to vector<16xf32>
    %swap3A_258 = vector.shape_cast %broadcast_in_dim3A_1 : vector<16xf32> to vector<1x16xf32>
    tpu.vector_store %arg7[%swap3A_254, %swap3A_255], %swap3A_258 {strides = array<i32>} : memref<8x128xf32, #tpu.memory_space<vmem>>, vector<1x16xf32>,
    %swap3A_259 = arith.constant 5 : i32
    %swap3A_260 = arith.index_cast %swap3A_259 : i32 to index
    %swap3A_261 = arith.constant 48 : index
    %swap3A_262 = tpu.vector_load %arg7[%swap3A_260, %swap3A_261] {strides = array<i32>} : memref<8x128xf32, #tpu.memory_space<vmem>>, vector<1x16xf32>,
    %swap3A_263 = vector.shape_cast %swap3A_262 : vector<1x16xf32> to vector<16xf32>
    %swap3A_264 = vector.shape_cast %broadcast_in_dim3A_1 : vector<16xf32> to vector<1x16xf32>
    tpu.vector_store %arg7[%swap3A_260, %swap3A_261], %swap3A_264 {strides = array<i32>} : memref<8x128xf32, #tpu.memory_space<vmem>>, vector<1x16xf32>,
    %swap3A_265 = arith.constant 5 : i32
    %swap3A_266 = arith.index_cast %swap3A_265 : i32 to index
    %swap3A_267 = arith.constant 64 : index
    %swap3A_268 = tpu.vector_load %arg7[%swap3A_266, %swap3A_267] {strides = array<i32>} : memref<8x128xf32, #tpu.memory_space<vmem>>, vector<1x16xf32>,
    %swap3A_269 = vector.shape_cast %swap3A_268 : vector<1x16xf32> to vector<16xf32>
    %swap3A_270 = vector.shape_cast %broadcast_in_dim3A_1 : vector<16xf32> to vector<1x16xf32>
    tpu.vector_store %arg7[%swap3A_266, %swap3A_267], %swap3A_270 {strides = array<i32>} : memref<8x128xf32, #tpu.memory_space<vmem>>, vector<1x16xf32>,
    %swap3A_271 = arith.constant 5 : i32
    %swap3A_272 = arith.index_cast %swap3A_271 : i32 to index
    %swap3A_273 = arith.constant 80 : index
    %swap3A_274 = tpu.vector_load %arg7[%swap3A_272, %swap3A_273] {strides = array<i32>} : memref<8x128xf32, #tpu.memory_space<vmem>>, vector<1x16xf32>,
    %swap3A_275 = vector.shape_cast %swap3A_274 : vector<1x16xf32> to vector<16xf32>
    %swap3A_276 = vector.shape_cast %broadcast_in_dim3A_1 : vector<16xf32> to vector<1x16xf32>
    tpu.vector_store %arg7[%swap3A_272, %swap3A_273], %swap3A_276 {strides = array<i32>} : memref<8x128xf32, #tpu.memory_space<vmem>>, vector<1x16xf32>,
    %swap3A_277 = arith.constant 5 : i32
    %swap3A_278 = arith.index_cast %swap3A_277 : i32 to index
    %swap3A_279 = arith.constant 96 : index
    %swap3A_280 = tpu.vector_load %arg7[%swap3A_278, %swap3A_279] {strides = array<i32>} : memref<8x128xf32, #tpu.memory_space<vmem>>, vector<1x16xf32>,
    %swap3A_281 = vector.shape_cast %swap3A_280 : vector<1x16xf32> to vector<16xf32>
    %swap3A_282 = vector.shape_cast %broadcast_in_dim3A_1 : vector<16xf32> to vector<1x16xf32>
    tpu.vector_store %arg7[%swap3A_278, %swap3A_279], %swap3A_282 {strides = array<i32>} : memref<8x128xf32, #tpu.memory_space<vmem>>, vector<1x16xf32>,
    %swap3A_283 = arith.constant 5 : i32
    %swap3A_284 = arith.index_cast %swap3A_283 : i32 to index
    %swap3A_285 = arith.constant 112 : index
    %swap3A_286 = tpu.vector_load %arg7[%swap3A_284, %swap3A_285] {strides = array<i32>} : memref<8x128xf32, #tpu.memory_space<vmem>>, vector<1x16xf32>,
    %swap3A_287 = vector.shape_cast %swap3A_286 : vector<1x16xf32> to vector<16xf32>
    %swap3A_288 = vector.shape_cast %broadcast_in_dim3A_1 : vector<16xf32> to vector<1x16xf32>
    tpu.vector_store %arg7[%swap3A_284, %swap3A_285], %swap3A_288 {strides = array<i32>} : memref<8x128xf32, #tpu.memory_space<vmem>>, vector<1x16xf32>,
    %swap3A_289 = arith.constant 6 : i32
    %swap3A_290 = arith.index_cast %swap3A_289 : i32 to index
    %swap3A_291 = arith.constant 0 : index
    %swap3A_292 = tpu.vector_load %arg7[%swap3A_290, %swap3A_291] {strides = array<i32>} : memref<8x128xf32, #tpu.memory_space<vmem>>, vector<1x16xf32>,
    %swap3A_293 = vector.shape_cast %swap3A_292 : vector<1x16xf32> to vector<16xf32>
    %swap3A_294 = vector.shape_cast %broadcast_in_dim3A_1 : vector<16xf32> to vector<1x16xf32>
    tpu.vector_store %arg7[%swap3A_290, %swap3A_291], %swap3A_294 {strides = array<i32>} : memref<8x128xf32, #tpu.memory_space<vmem>>, vector<1x16xf32>,
    %swap3A_295 = arith.constant 6 : i32
    %swap3A_296 = arith.index_cast %swap3A_295 : i32 to index
    %swap3A_297 = arith.constant 16 : index
    %swap3A_298 = tpu.vector_load %arg7[%swap3A_296, %swap3A_297] {strides = array<i32>} : memref<8x128xf32, #tpu.memory_space<vmem>>, vector<1x16xf32>,
    %swap3A_299 = vector.shape_cast %swap3A_298 : vector<1x16xf32> to vector<16xf32>
    %swap3A_300 = vector.shape_cast %broadcast_in_dim3A_1 : vector<16xf32> to vector<1x16xf32>
    tpu.vector_store %arg7[%swap3A_296, %swap3A_297], %swap3A_300 {strides = array<i32>} : memref<8x128xf32, #tpu.memory_space<vmem>>, vector<1x16xf32>,
    %swap3A_301 = arith.constant 6 : i32
    %swap3A_302 = arith.index_cast %swap3A_301 : i32 to index
    %swap3A_303 = arith.constant 32 : index
    %swap3A_304 = tpu.vector_load %arg7[%swap3A_302, %swap3A_303] {strides = array<i32>} : memref<8x128xf32, #tpu.memory_space<vmem>>, vector<1x16xf32>,
    %swap3A_305 = vector.shape_cast %swap3A_304 : vector<1x16xf32> to vector<16xf32>
    %swap3A_306 = vector.shape_cast %broadcast_in_dim3A_1 : vector<16xf32> to vector<1x16xf32>
    tpu.vector_store %arg7[%swap3A_302, %swap3A_303], %swap3A_306 {strides = array<i32>} : memref<8x128xf32, #tpu.memory_space<vmem>>, vector<1x16xf32>,
    %swap3A_307 = arith.constant 6 : i32
    %swap3A_308 = arith.index_cast %swap3A_307 : i32 to index
    %swap3A_309 = arith.constant 48 : index
    %swap3A_310 = tpu.vector_load %arg7[%swap3A_308, %swap3A_309] {strides = array<i32>} : memref<8x128xf32, #tpu.memory_space<vmem>>, vector<1x16xf32>,
    %swap3A_311 = vector.shape_cast %swap3A_310 : vector<1x16xf32> to vector<16xf32>
    %swap3A_312 = vector.shape_cast %broadcast_in_dim3A_1 : vector<16xf32> to vector<1x16xf32>
    tpu.vector_store %arg7[%swap3A_308, %swap3A_309], %swap3A_312 {strides = array<i32>} : memref<8x128xf32, #tpu.memory_space<vmem>>, vector<1x16xf32>,
    %swap3A_313 = arith.constant 6 : i32
    %swap3A_314 = arith.index_cast %swap3A_313 : i32 to index
    %swap3A_315 = arith.constant 64 : index
    %swap3A_316 = tpu.vector_load %arg7[%swap3A_314, %swap3A_315] {strides = array<i32>} : memref<8x128xf32, #tpu.memory_space<vmem>>, vector<1x16xf32>,
    %swap3A_317 = vector.shape_cast %swap3A_316 : vector<1x16xf32> to vector<16xf32>
    %swap3A_318 = vector.shape_cast %broadcast_in_dim3A_1 : vector<16xf32> to vector<1x16xf32>
    tpu.vector_store %arg7[%swap3A_314, %swap3A_315], %swap3A_318 {strides = array<i32>} : memref<8x128xf32, #tpu.memory_space<vmem>>, vector<1x16xf32>,
    %swap3A_319 = arith.constant 6 : i32
    %swap3A_320 = arith.index_cast %swap3A_319 : i32 to index
    %swap3A_321 = arith.constant 80 : index
    %swap3A_322 = tpu.vector_load %arg7[%swap3A_320, %swap3A_321] {strides = array<i32>} : memref<8x128xf32, #tpu.memory_space<vmem>>, vector<1x16xf32>,
    %swap3A_323 = vector.shape_cast %swap3A_322 : vector<1x16xf32> to vector<16xf32>
    %swap3A_324 = vector.shape_cast %broadcast_in_dim3A_1 : vector<16xf32> to vector<1x16xf32>
    tpu.vector_store %arg7[%swap3A_320, %swap3A_321], %swap3A_324 {strides = array<i32>} : memref<8x128xf32, #tpu.memory_space<vmem>>, vector<1x16xf32>,
    %swap3A_325 = arith.constant 6 : i32
    %swap3A_326 = arith.index_cast %swap3A_325 : i32 to index
    %swap3A_327 = arith.constant 96 : index
    %swap3A_328 = tpu.vector_load %arg7[%swap3A_326, %swap3A_327] {strides = array<i32>} : memref<8x128xf32, #tpu.memory_space<vmem>>, vector<1x16xf32>,
    %swap3A_329 = vector.shape_cast %swap3A_328 : vector<1x16xf32> to vector<16xf32>
    %swap3A_330 = vector.shape_cast %broadcast_in_dim3A_1 : vector<16xf32> to vector<1x16xf32>
    tpu.vector_store %arg7[%swap3A_326, %swap3A_327], %swap3A_330 {strides = array<i32>} : memref<8x128xf32, #tpu.memory_space<vmem>>, vector<1x16xf32>,
    %swap3A_331 = arith.constant 6 : i32
    %swap3A_332 = arith.index_cast %swap3A_331 : i32 to index
    %swap3A_333 = arith.constant 112 : index
    %swap3A_334 = tpu.vector_load %arg7[%swap3A_332, %swap3A_333] {strides = array<i32>} : memref<8x128xf32, #tpu.memory_space<vmem>>, vector<1x16xf32>,
    %swap3A_335 = vector.shape_cast %swap3A_334 : vector<1x16xf32> to vector<16xf32>
    %swap3A_336 = vector.shape_cast %broadcast_in_dim3A_1 : vector<16xf32> to vector<1x16xf32>
    tpu.vector_store %arg7[%swap3A_332, %swap3A_333], %swap3A_336 {strides = array<i32>} : memref<8x128xf32, #tpu.memory_space<vmem>>, vector<1x16xf32>,
    %swap3A_337 = arith.constant 7 : i32
    %swap3A_338 = arith.index_cast %swap3A_337 : i32 to index
    %swap3A_339 = arith.constant 0 : index
    %swap3A_340 = tpu.vector_load %arg7[%swap3A_338, %swap3A_339] {strides = array<i32>} : memref<8x128xf32, #tpu.memory_space<vmem>>, vector<1x16xf32>,
    %swap3A_341 = vector.shape_cast %swap3A_340 : vector<1x16xf32> to vector<16xf32>
    %swap3A_342 = vector.shape_cast %broadcast_in_dim3A_1 : vector<16xf32> to vector<1x16xf32>
    tpu.vector_store %arg7[%swap3A_338, %swap3A_339], %swap3A_342 {strides = array<i32>} : memref<8x128xf32, #tpu.memory_space<vmem>>, vector<1x16xf32>,
    %swap3A_343 = arith.constant 7 : i32
    %swap3A_344 = arith.index_cast %swap3A_343 : i32 to index
    %swap3A_345 = arith.constant 16 : index
    %swap3A_346 = tpu.vector_load %arg7[%swap3A_344, %swap3A_345] {strides = array<i32>} : memref<8x128xf32, #tpu.memory_space<vmem>>, vector<1x16xf32>,
    %swap3A_347 = vector.shape_cast %swap3A_346 : vector<1x16xf32> to vector<16xf32>
    %swap3A_348 = vector.shape_cast %broadcast_in_dim3A_1 : vector<16xf32> to vector<1x16xf32>
    tpu.vector_store %arg7[%swap3A_344, %swap3A_345], %swap3A_348 {strides = array<i32>} : memref<8x128xf32, #tpu.memory_space<vmem>>, vector<1x16xf32>,
    %swap3A_349 = arith.constant 7 : i32
    %swap3A_350 = arith.index_cast %swap3A_349 : i32 to index
    %swap3A_351 = arith.constant 32 : index
    %swap3A_352 = tpu.vector_load %arg7[%swap3A_350, %swap3A_351] {strides = array<i32>} : memref<8x128xf32, #tpu.memory_space<vmem>>, vector<1x16xf32>,
    %swap3A_353 = vector.shape_cast %swap3A_352 : vector<1x16xf32> to vector<16xf32>
    %swap3A_354 = vector.shape_cast %broadcast_in_dim3A_1 : vector<16xf32> to vector<1x16xf32>
    tpu.vector_store %arg7[%swap3A_350, %swap3A_351], %swap3A_354 {strides = array<i32>} : memref<8x128xf32, #tpu.memory_space<vmem>>, vector<1x16xf32>,
    %swap3A_355 = arith.constant 7 : i32
    %swap3A_356 = arith.index_cast %swap3A_355 : i32 to index
    %swap3A_357 = arith.constant 48 : index
    %swap3A_358 = tpu.vector_load %arg7[%swap3A_356, %swap3A_357] {strides = array<i32>} : memref<8x128xf32, #tpu.memory_space<vmem>>, vector<1x16xf32>,
    %swap3A_359 = vector.shape_cast %swap3A_358 : vector<1x16xf32> to vector<16xf32>
    %swap3A_360 = vector.shape_cast %broadcast_in_dim3A_1 : vector<16xf32> to vector<1x16xf32>
    tpu.vector_store %arg7[%swap3A_356, %swap3A_357], %swap3A_360 {strides = array<i32>} : memref<8x128xf32, #tpu.memory_space<vmem>>, vector<1x16xf32>,
    %swap3A_361 = arith.constant 7 : i32
    %swap3A_362 = arith.index_cast %swap3A_361 : i32 to index
    %swap3A_363 = arith.constant 64 : index
    %swap3A_364 = tpu.vector_load %arg7[%swap3A_362, %swap3A_363] {strides = array<i32>} : memref<8x128xf32, #tpu.memory_space<vmem>>, vector<1x16xf32>,
    %swap3A_365 = vector.shape_cast %swap3A_364 : vector<1x16xf32> to vector<16xf32>
    %swap3A_366 = vector.shape_cast %broadcast_in_dim3A_1 : vector<16xf32> to vector<1x16xf32>
    tpu.vector_store %arg7[%swap3A_362, %swap3A_363], %swap3A_366 {strides = array<i32>} : memref<8x128xf32, #tpu.memory_space<vmem>>, vector<1x16xf32>,
    %swap3A_367 = arith.constant 7 : i32
    %swap3A_368 = arith.index_cast %swap3A_367 : i32 to index
    %swap3A_369 = arith.constant 80 : index
    %swap3A_370 = tpu.vector_load %arg7[%swap3A_368, %swap3A_369] {strides = array<i32>} : memref<8x128xf32, #tpu.memory_space<vmem>>, vector<1x16xf32>,
    %swap3A_371 = vector.shape_cast %swap3A_370 : vector<1x16xf32> to vector<16xf32>
    %swap3A_372 = vector.shape_cast %broadcast_in_dim3A_1 : vector<16xf32> to vector<1x16xf32>
    tpu.vector_store %arg7[%swap3A_368, %swap3A_369], %swap3A_372 {strides = array<i32>} : memref<8x128xf32, #tpu.memory_space<vmem>>, vector<1x16xf32>,
    %swap3A_373 = arith.constant 7 : i32
    %swap3A_374 = arith.index_cast %swap3A_373 : i32 to index
    %swap3A_375 = arith.constant 96 : index
    %swap3A_376 = tpu.vector_load %arg7[%swap3A_374, %swap3A_375] {strides = array<i32>} : memref<8x128xf32, #tpu.memory_space<vmem>>, vector<1x16xf32>,
    %swap3A_377 = vector.shape_cast %swap3A_376 : vector<1x16xf32> to vector<16xf32>
    %swap3A_378 = vector.shape_cast %broadcast_in_dim3A_1 : vector<16xf32> to vector<1x16xf32>
    tpu.vector_store %arg7[%swap3A_374, %swap3A_375], %swap3A_378 {strides = array<i32>} : memref<8x128xf32, #tpu.memory_space<vmem>>, vector<1x16xf32>,
    %swap3A_379 = arith.constant 7 : i32
    %swap3A_380 = arith.index_cast %swap3A_379 : i32 to index
    %swap3A_381 = arith.constant 112 : index
    %swap3A_382 = tpu.vector_load %arg7[%swap3A_380, %swap3A_381] {strides = array<i32>} : memref<8x128xf32, #tpu.memory_space<vmem>>, vector<1x16xf32>,
    %swap3A_383 = vector.shape_cast %swap3A_382 : vector<1x16xf32> to vector<16xf32>
    %swap3A_384 = vector.shape_cast %broadcast_in_dim3A_1 : vector<16xf32> to vector<1x16xf32>
    tpu.vector_store %arg7[%swap3A_380, %swap3A_381], %swap3A_384 {strides = array<i32>} : memref<8x128xf32, #tpu.memory_space<vmem>>, vector<1x16xf32>,
    %mul3A_385 = arith.constant 632 : i32
    %mul3A_386 = arith.muli %arg1, %mul3A_385 : i32
    %eq3A = arith.constant 15 : i32
    %eq3A_387 = arith.cmpi eq, %arg1, %eq3A : i32
    %jit3A = arith.constant 520 : i32
    %jit3A_388 = arith.constant 632 : i32
    %select_n3A = arith.select %eq3A_387, %jit3A, %jit3A_388 : i32
    %jit3A_389 = arith.constant 8 : i32
    %div3A = arith.divsi %select_n3A, %jit3A_389 : i32
    %sign3A = arith.constant 0 : i32
    %sign3A_390 = arith.cmpi sgt, %select_n3A, %sign3A : i32
    %sign3A_391 = arith.extui %sign3A_390 : i1 to i32
    %sign3A_392 = arith.constant 0 : i32
    %sign3A_393 = arith.cmpi slt, %select_n3A, %sign3A_392 : i32
    %sign3A_394 = arith.extui %sign3A_393 : i1 to i32
    %sign3A_395 = arith.subi %sign3A_391, %sign3A_394 : i32
    %sign3A_396 = arith.constant 0 : i32
    %sign3A_397 = arith.cmpi sgt, %jit3A_389, %sign3A_396 : i32
    %sign3A_398 = arith.extui %sign3A_397 : i1 to i32
    %sign3A_399 = arith.constant 0 : i32
    %sign3A_400 = arith.cmpi slt, %jit3A_389, %sign3A_399 : i32
    %sign3A_401 = arith.extui %sign3A_400 : i1 to i32
    %sign3A_402 = arith.subi %sign3A_398, %sign3A_401 : i32
    %ne3A = arith.cmpi ne, %sign3A_395, %sign3A_402 : i32
    %rem3A = arith.remsi %select_n3A, %jit3A_389 : i32
    %ne3A_403 = arith.constant 0 : i32
    %ne3A_404 = arith.cmpi ne, %rem3A, %ne3A_403 : i32
    %and3A = arith.andi %ne3A, %ne3A_404 : i1
    %sub3A = arith.constant 1 : i32
    %sub3A_405 = arith.subi %div3A, %sub3A : i32
    %select_n3A_406 = arith.select %and3A, %sub3A_405, %div3A : i32
    %while3A = arith.constant 0 : i32
    %while3A_407 = arith.constant 0 : i32
    %while3A_408 = arith.subi %select_n3A_406, %while3A_407 : i32
    %while3A_409 = arith.addi %while3A_407, %while3A_408 : i32
    %while3A_410 = arith.constant 1 : i32
    %while3A_411 = arith.divsi %while3A_408, %while3A_410 : i32
    %while3A_412 = arith.muli %while3A_411, %while3A_410 : i32
    %while3A_413 = arith.addi %while3A_407, %while3A_412 : i32
    %while3A_414 = arith.constant 1 : i32
    scf.for %while3A_691 = %while3A_407 to %while3A_413 step %while3A_414  : i32 {
      %mul3A_692 = arith.constant 8 : i32
      %mul3A_693 = arith.muli %while3A_691, %mul3A_692 : i32
      %add3A_694 = arith.addi %mul3A_386, %mul3A_693 : i32
      "tpu.region"() ({
        %run_scoped3A = tpu.sem_alloc : memref<!tpu.dma_semaphore, #tpu.memory_space<semaphore_mem>>
        %dma_start3A_695 = arith.constant 0 : i32
        %dma_start3A_696 = tpu.memref_slice %arg8[%add3A_694, %dma_start3A_695] : memref<10000x128xf32, #tpu.memory_space<vmem_shared>> -> memref<8x128xf32, #tpu.memory_space<vmem_shared>>
        %dma_start3A_697 = arith.constant 0 : i32
        %dma_start3A_698 = tpu.memref_slice %arg8[%add3A_694, %dma_start3A_697] : memref<10000x128xf32, #tpu.memory_space<vmem_shared>> -> memref<8x128xf32, #tpu.memory_space<vmem_shared>>
        tpu.enqueue_dma source(%arg7 : memref<8x128xf32, #tpu.memory_space<vmem>>) target(%dma_start3A_698 : memref<8x128xf32, #tpu.memory_space<vmem_shared>>) target_semaphore(%run_scoped3A : memref<!tpu.dma_semaphore, #tpu.memory_space<semaphore_mem>>)
        %dma_wait3A_699 = arith.constant 0 : i32
        %dma_wait3A_700 = tpu.memref_slice %arg8[%add3A_694, %dma_wait3A_699] : memref<10000x128xf32, #tpu.memory_space<vmem_shared>> -> memref<8x128xf32, #tpu.memory_space<vmem_shared>>
        %dma_wait3A_701 = arith.constant 0 : i32
        %dma_wait3A_702 = tpu.memref_slice %arg8[%add3A_694, %dma_wait3A_701] : memref<10000x128xf32, #tpu.memory_space<vmem_shared>> -> memref<8x128xf32, #tpu.memory_space<vmem_shared>>
        tpu.wait_dma2 semaphore(%run_scoped3A : memref<!tpu.dma_semaphore, #tpu.memory_space<semaphore_mem>>) src(%arg7 : memref<8x128xf32, #tpu.memory_space<vmem>>) dst(%dma_wait3A_702 : memref<8x128xf32, #tpu.memory_space<vmem_shared>>)
        tpu.yield
      }) : () -> ()
    }
    %while3A_415 = arith.constant 1 : i32
    scf.for %while3A_691 = %while3A_413 to %while3A_409 step %while3A_415  : i32 {
      %mul3A_692 = arith.constant 8 : i32
      %mul3A_693 = arith.muli %while3A_691, %mul3A_692 : i32
      %add3A_694 = arith.addi %mul3A_386, %mul3A_693 : i32
      "tpu.region"() ({
        %run_scoped3A = tpu.sem_alloc : memref<!tpu.dma_semaphore, #tpu.memory_space<semaphore_mem>>
        %dma_start3A_695 = arith.constant 0 : i32
        %dma_start3A_696 = tpu.memref_slice %arg8[%add3A_694, %dma_start3A_695] : memref<10000x128xf32, #tpu.memory_space<vmem_shared>> -> memref<8x128xf32, #tpu.memory_space<vmem_shared>>
        %dma_start3A_697 = arith.constant 0 : i32
        %dma_start3A_698 = tpu.memref_slice %arg8[%add3A_694, %dma_start3A_697] : memref<10000x128xf32, #tpu.memory_space<vmem_shared>> -> memref<8x128xf32, #tpu.memory_space<vmem_shared>>
        tpu.enqueue_dma source(%arg7 : memref<8x128xf32, #tpu.memory_space<vmem>>) target(%dma_start3A_698 : memref<8x128xf32, #tpu.memory_space<vmem_shared>>) target_semaphore(%run_scoped3A : memref<!tpu.dma_semaphore, #tpu.memory_space<semaphore_mem>>)
        %dma_wait3A_699 = arith.constant 0 : i32
        %dma_wait3A_700 = tpu.memref_slice %arg8[%add3A_694, %dma_wait3A_699] : memref<10000x128xf32, #tpu.memory_space<vmem_shared>> -> memref<8x128xf32, #tpu.memory_space<vmem_shared>>
        %dma_wait3A_701 = arith.constant 0 : i32
        %dma_wait3A_702 = tpu.memref_slice %arg8[%add3A_694, %dma_wait3A_701] : memref<10000x128xf32, #tpu.memory_space<vmem_shared>> -> memref<8x128xf32, #tpu.memory_space<vmem_shared>>
        tpu.wait_dma2 semaphore(%run_scoped3A : memref<!tpu.dma_semaphore, #tpu.memory_space<semaphore_mem>>) src(%arg7 : memref<8x128xf32, #tpu.memory_space<vmem>>) dst(%dma_wait3A_702 : memref<8x128xf32, #tpu.memory_space<vmem_shared>>)
        tpu.yield
      }) : () -> ()
    }
    %barrier3A = arith.constant 0 : index
    tpu.barrier barrier_id(%barrier3A)
    %dma_start3A = arith.constant 0 : i32
    %dma_start3A_416 = arith.constant 0 : i32
    %dma_start3A_417 = arith.constant 0 : i32
    %dma_start3A_418 = arith.constant 0 : i32
    %dma_start3A_419 = tpu.memref_slice %arg5[%dma_start3A_416, %dma_start3A_417, %dma_start3A_418] : memref<2x2x80xi32, #tpu.memory_space<vmem>> -> memref<1x2x80xi32, #tpu.memory_space<vmem>>
    %dma_start3A_420 = tpu.memref_squeeze %dma_start3A_419 : memref<1x2x80xi32, #tpu.memory_space<vmem>> -> memref<2x80xi32, #tpu.memory_space<vmem>>
    %dma_start3A_421 = arith.constant 0 : i32
    %dma_start3A_422 = arith.constant 0 : i32
    %dma_start3A_423 = tpu.memref_slice %arg2[%add3A, %dma_start3A, %dma_start3A_421, %dma_start3A_422] : memref<32x125x2x80xi32, #tpu.memory_space<hbm>> -> memref<1x1x2x80xi32, #tpu.memory_space<hbm>>
    %dma_start3A_424 = tpu.memref_squeeze %dma_start3A_423 : memref<1x1x2x80xi32, #tpu.memory_space<hbm>> -> memref<2x80xi32, #tpu.memory_space<hbm>>
    %dma_start3A_425 = arith.constant 0 : i32
    %dma_start3A_426 = arith.constant 0 : i32
    %dma_start3A_427 = tpu.memref_slice %arg5[%dma_start3A_416, %dma_start3A_425, %dma_start3A_426] : memref<2x2x80xi32, #tpu.memory_space<vmem>> -> memref<1x2x80xi32, #tpu.memory_space<vmem>>
    %dma_start3A_428 = tpu.memref_squeeze %dma_start3A_427 : memref<1x2x80xi32, #tpu.memory_space<vmem>> -> memref<2x80xi32, #tpu.memory_space<vmem>>
    %dma_start3A_429 = arith.constant 0 : i32
    %dma_start3A_430 = arith.constant 0 : i32
    %dma_start3A_431 = tpu.memref_slice %arg2[%add3A, %dma_start3A, %dma_start3A_429, %dma_start3A_430] : memref<32x125x2x80xi32, #tpu.memory_space<hbm>> -> memref<1x1x2x80xi32, #tpu.memory_space<hbm>>
    %dma_start3A_432 = tpu.memref_squeeze %dma_start3A_431 : memref<1x1x2x80xi32, #tpu.memory_space<hbm>> -> memref<2x80xi32, #tpu.memory_space<hbm>>
    tpu.enqueue_dma source(%dma_start3A_432 : memref<2x80xi32, #tpu.memory_space<hbm>>) target(%dma_start3A_428 : memref<2x80xi32, #tpu.memory_space<vmem>>) target_semaphore(%arg10 : memref<!tpu.dma_semaphore, #tpu.memory_space<semaphore_mem>>)
    %dma_wait3A = arith.constant 0 : i32
    %dma_wait3A_433 = arith.constant 0 : i32
    %dma_wait3A_434 = arith.constant 0 : i32
    %dma_wait3A_435 = arith.constant 0 : i32
    %dma_wait3A_436 = tpu.memref_slice %arg5[%dma_wait3A_433, %dma_wait3A_434, %dma_wait3A_435] : memref<2x2x80xi32, #tpu.memory_space<vmem>> -> memref<1x2x80xi32, #tpu.memory_space<vmem>>
    %dma_wait3A_437 = tpu.memref_squeeze %dma_wait3A_436 : memref<1x2x80xi32, #tpu.memory_space<vmem>> -> memref<2x80xi32, #tpu.memory_space<vmem>>
    %dma_wait3A_438 = arith.constant 0 : i32
    %dma_wait3A_439 = arith.constant 0 : i32
    %dma_wait3A_440 = tpu.memref_slice %arg2[%add3A, %dma_wait3A, %dma_wait3A_438, %dma_wait3A_439] : memref<32x125x2x80xi32, #tpu.memory_space<hbm>> -> memref<1x1x2x80xi32, #tpu.memory_space<hbm>>
    %dma_wait3A_441 = tpu.memref_squeeze %dma_wait3A_440 : memref<1x1x2x80xi32, #tpu.memory_space<hbm>> -> memref<2x80xi32, #tpu.memory_space<hbm>>
    %dma_wait3A_442 = arith.constant 0 : i32
    %dma_wait3A_443 = arith.constant 0 : i32
    %dma_wait3A_444 = tpu.memref_slice %arg5[%dma_wait3A_433, %dma_wait3A_442, %dma_wait3A_443] : memref<2x2x80xi32, #tpu.memory_space<vmem>> -> memref<1x2x80xi32, #tpu.memory_space<vmem>>
    %dma_wait3A_445 = tpu.memref_squeeze %dma_wait3A_444 : memref<1x2x80xi32, #tpu.memory_space<vmem>> -> memref<2x80xi32, #tpu.memory_space<vmem>>
    %dma_wait3A_446 = arith.constant 0 : i32
    %dma_wait3A_447 = arith.constant 0 : i32
    %dma_wait3A_448 = tpu.memref_slice %arg2[%add3A, %dma_wait3A, %dma_wait3A_446, %dma_wait3A_447] : memref<32x125x2x80xi32, #tpu.memory_space<hbm>> -> memref<1x1x2x80xi32, #tpu.memory_space<hbm>>
    %dma_wait3A_449 = tpu.memref_squeeze %dma_wait3A_448 : memref<1x1x2x80xi32, #tpu.memory_space<hbm>> -> memref<2x80xi32, #tpu.memory_space<hbm>>
    tpu.wait_dma2 semaphore(%arg10 : memref<!tpu.dma_semaphore, #tpu.memory_space<semaphore_mem>>) src(%dma_wait3A_449 : memref<2x80xi32, #tpu.memory_space<hbm>>) dst(%dma_wait3A_445 : memref<2x80xi32, #tpu.memory_space<vmem>>)
    %dma_start3A_450 = arith.constant 0 : i32
    %dma_start3A_451 = arith.constant 0 : i32
    %dma_start3A_452 = arith.constant 0 : i32
    %dma_start3A_453 = arith.constant 0 : i32
    %dma_start3A_454 = arith.constant 0 : i32
    %dma_start3A_455 = tpu.memref_slice %arg6[%dma_start3A_452, %dma_start3A_453, %dma_start3A_454] : memref<2x80x128xf32, #tpu.memory_space<vmem>> -> memref<1x80x128xf32, #tpu.memory_space<vmem>>
    %dma_start3A_456 = tpu.memref_squeeze %dma_start3A_455 : memref<1x80x128xf32, #tpu.memory_space<vmem>> -> memref<80x128xf32, #tpu.memory_space<vmem>>
    %dma_start3A_457 = arith.constant 0 : i32
    %dma_start3A_458 = tpu.memref_slice %arg5[%dma_start3A_450, %dma_start3A_451, %dma_start3A_457] : memref<2x2x80xi32, #tpu.memory_space<vmem>> -> memref<1x1x80xi32, #tpu.memory_space<vmem>>
    %dma_start3A_459 = tpu.memref_squeeze %dma_start3A_458 : memref<1x1x80xi32, #tpu.memory_space<vmem>> -> memref<80xi32, #tpu.memory_space<vmem>>
    %dma_start3A_460 = arith.constant 0 : i32
    %dma_start3A_461 = arith.constant 0 : i32
    %dma_start3A_462 = tpu.memref_slice %arg3[%dma_start3A_460, %dma_start3A_461] : memref<10000x128xf32, #tpu.memory_space<hbm>> -> memref<10000x128xf32, #tpu.memory_space<hbm>>
    tpu.enqueue_indirect_dma source(%dma_start3A_462 : memref<10000x128xf32, #tpu.memory_space<hbm>>) target(%dma_start3A_456 : memref<80x128xf32, #tpu.memory_space<vmem>>) offsets(%dma_start3A_459 : memref<80xi32, #tpu.memory_space<vmem>>) semaphore(%arg9 : memref<!tpu.dma_semaphore, #tpu.memory_space<semaphore_mem>>)
    %dma_wait3A_463 = arith.constant 0 : i32
    %dma_wait3A_464 = arith.constant 0 : i32
    %dma_wait3A_465 = arith.constant 0 : i32
    %dma_wait3A_466 = arith.constant 0 : i32
    %dma_wait3A_467 = arith.constant 0 : i32
    %dma_wait3A_468 = tpu.memref_slice %arg6[%dma_wait3A_465, %dma_wait3A_466, %dma_wait3A_467] : memref<2x80x128xf32, #tpu.memory_space<vmem>> -> memref<1x80x128xf32, #tpu.memory_space<vmem>>
    %dma_wait3A_469 = tpu.memref_squeeze %dma_wait3A_468 : memref<1x80x128xf32, #tpu.memory_space<vmem>> -> memref<80x128xf32, #tpu.memory_space<vmem>>
    %dma_wait3A_470 = arith.constant 0 : i32
    %dma_wait3A_471 = tpu.memref_slice %arg5[%dma_wait3A_463, %dma_wait3A_464, %dma_wait3A_470] : memref<2x2x80xi32, #tpu.memory_space<vmem>> -> memref<1x1x80xi32, #tpu.memory_space<vmem>>
    %dma_wait3A_472 = tpu.memref_squeeze %dma_wait3A_471 : memref<1x1x80xi32, #tpu.memory_space<vmem>> -> memref<80xi32, #tpu.memory_space<vmem>>
    %dma_wait3A_473 = arith.constant 0 : i32
    %dma_wait3A_474 = arith.constant 0 : i32
    %dma_wait3A_475 = tpu.memref_slice %arg3[%dma_wait3A_473, %dma_wait3A_474] : memref<10000x128xf32, #tpu.memory_space<hbm>> -> memref<10000x128xf32, #tpu.memory_space<hbm>>
    tpu.wait_indirect_dma semaphore(%arg9 : memref<!tpu.dma_semaphore, #tpu.memory_space<semaphore_mem>>) src(%dma_wait3A_475 : memref<10000x128xf32, #tpu.memory_space<hbm>>) dst(%dma_wait3A_469 : memref<80x128xf32, #tpu.memory_space<vmem>>)
    %dma_start3A_476 = arith.constant 0 : i32
    %dma_start3A_477 = arith.constant 0 : i32
    %dma_start3A_478 = arith.constant 1 : i32
    %dma_start3A_479 = arith.constant 0 : i32
    %dma_start3A_480 = arith.constant 0 : i32
    %dma_start3A_481 = tpu.memref_slice %arg6[%dma_start3A_476, %dma_start3A_479, %dma_start3A_480] : memref<2x80x128xf32, #tpu.memory_space<vmem>> -> memref<1x80x128xf32, #tpu.memory_space<vmem>>
    %dma_start3A_482 = tpu.memref_squeeze %dma_start3A_481 : memref<1x80x128xf32, #tpu.memory_space<vmem>> -> memref<80x128xf32, #tpu.memory_space<vmem>>
    %dma_start3A_483 = arith.constant 0 : i32
    %dma_start3A_484 = tpu.memref_slice %arg5[%dma_start3A_477, %dma_start3A_478, %dma_start3A_483] : memref<2x2x80xi32, #tpu.memory_space<vmem>> -> memref<1x1x80xi32, #tpu.memory_space<vmem>>
    %dma_start3A_485 = tpu.memref_squeeze %dma_start3A_484 : memref<1x1x80xi32, #tpu.memory_space<vmem>> -> memref<80xi32, #tpu.memory_space<vmem>>
    %dma_start3A_486 = arith.constant 0 : i32
    %dma_start3A_487 = arith.constant 0 : i32
    %dma_start3A_488 = tpu.memref_slice %arg8[%dma_start3A_486, %dma_start3A_487] : memref<10000x128xf32, #tpu.memory_space<vmem_shared>> -> memref<10000x128xf32, #tpu.memory_space<vmem_shared>>
    tpu.enqueue_indirect_dma source(%dma_start3A_482 : memref<80x128xf32, #tpu.memory_space<vmem>>) target(%dma_start3A_488 : memref<10000x128xf32, #tpu.memory_space<vmem_shared>>) offsets(%dma_start3A_485 : memref<80xi32, #tpu.memory_space<vmem>>) semaphore(%arg11 : memref<!tpu.dma_semaphore, #tpu.memory_space<semaphore_mem>>) {add = true}
    %dma_start3A_489 = arith.constant 1 : i32
    %dma_start3A_490 = arith.constant 1 : i32
    %dma_start3A_491 = arith.constant 0 : i32
    %dma_start3A_492 = arith.constant 0 : i32
    %dma_start3A_493 = tpu.memref_slice %arg5[%dma_start3A_490, %dma_start3A_491, %dma_start3A_492] : memref<2x2x80xi32, #tpu.memory_space<vmem>> -> memref<1x2x80xi32, #tpu.memory_space<vmem>>
    %dma_start3A_494 = tpu.memref_squeeze %dma_start3A_493 : memref<1x2x80xi32, #tpu.memory_space<vmem>> -> memref<2x80xi32, #tpu.memory_space<vmem>>
    %dma_start3A_495 = arith.constant 0 : i32
    %dma_start3A_496 = arith.constant 0 : i32
    %dma_start3A_497 = tpu.memref_slice %arg2[%add3A, %dma_start3A_489, %dma_start3A_495, %dma_start3A_496] : memref<32x125x2x80xi32, #tpu.memory_space<hbm>> -> memref<1x1x2x80xi32, #tpu.memory_space<hbm>>
    %dma_start3A_498 = tpu.memref_squeeze %dma_start3A_497 : memref<1x1x2x80xi32, #tpu.memory_space<hbm>> -> memref<2x80xi32, #tpu.memory_space<hbm>>
    %dma_start3A_499 = arith.constant 0 : i32
    %dma_start3A_500 = arith.constant 0 : i32
    %dma_start3A_501 = tpu.memref_slice %arg5[%dma_start3A_490, %dma_start3A_499, %dma_start3A_500] : memref<2x2x80xi32, #tpu.memory_space<vmem>> -> memref<1x2x80xi32, #tpu.memory_space<vmem>>
    %dma_start3A_502 = tpu.memref_squeeze %dma_start3A_501 : memref<1x2x80xi32, #tpu.memory_space<vmem>> -> memref<2x80xi32, #tpu.memory_space<vmem>>
    %dma_start3A_503 = arith.constant 0 : i32
    %dma_start3A_504 = arith.constant 0 : i32
    %dma_start3A_505 = tpu.memref_slice %arg2[%add3A, %dma_start3A_489, %dma_start3A_503, %dma_start3A_504] : memref<32x125x2x80xi32, #tpu.memory_space<hbm>> -> memref<1x1x2x80xi32, #tpu.memory_space<hbm>>
    %dma_start3A_506 = tpu.memref_squeeze %dma_start3A_505 : memref<1x1x2x80xi32, #tpu.memory_space<hbm>> -> memref<2x80xi32, #tpu.memory_space<hbm>>
    tpu.enqueue_dma source(%dma_start3A_506 : memref<2x80xi32, #tpu.memory_space<hbm>>) target(%dma_start3A_502 : memref<2x80xi32, #tpu.memory_space<vmem>>) target_semaphore(%arg10 : memref<!tpu.dma_semaphore, #tpu.memory_space<semaphore_mem>>)
    %dma_wait3A_507 = arith.constant 1 : i32
    %dma_wait3A_508 = arith.constant 1 : i32
    %dma_wait3A_509 = arith.constant 0 : i32
    %dma_wait3A_510 = arith.constant 0 : i32
    %dma_wait3A_511 = tpu.memref_slice %arg5[%dma_wait3A_508, %dma_wait3A_509, %dma_wait3A_510] : memref<2x2x80xi32, #tpu.memory_space<vmem>> -> memref<1x2x80xi32, #tpu.memory_space<vmem>>
    %dma_wait3A_512 = tpu.memref_squeeze %dma_wait3A_511 : memref<1x2x80xi32, #tpu.memory_space<vmem>> -> memref<2x80xi32, #tpu.memory_space<vmem>>
    %dma_wait3A_513 = arith.constant 0 : i32
    %dma_wait3A_514 = arith.constant 0 : i32
    %dma_wait3A_515 = tpu.memref_slice %arg2[%add3A, %dma_wait3A_507, %dma_wait3A_513, %dma_wait3A_514] : memref<32x125x2x80xi32, #tpu.memory_space<hbm>> -> memref<1x1x2x80xi32, #tpu.memory_space<hbm>>
    %dma_wait3A_516 = tpu.memref_squeeze %dma_wait3A_515 : memref<1x1x2x80xi32, #tpu.memory_space<hbm>> -> memref<2x80xi32, #tpu.memory_space<hbm>>
    %dma_wait3A_517 = arith.constant 0 : i32
    %dma_wait3A_518 = arith.constant 0 : i32
    %dma_wait3A_519 = tpu.memref_slice %arg5[%dma_wait3A_508, %dma_wait3A_517, %dma_wait3A_518] : memref<2x2x80xi32, #tpu.memory_space<vmem>> -> memref<1x2x80xi32, #tpu.memory_space<vmem>>
    %dma_wait3A_520 = tpu.memref_squeeze %dma_wait3A_519 : memref<1x2x80xi32, #tpu.memory_space<vmem>> -> memref<2x80xi32, #tpu.memory_space<vmem>>
    %dma_wait3A_521 = arith.constant 0 : i32
    %dma_wait3A_522 = arith.constant 0 : i32
    %dma_wait3A_523 = tpu.memref_slice %arg2[%add3A, %dma_wait3A_507, %dma_wait3A_521, %dma_wait3A_522] : memref<32x125x2x80xi32, #tpu.memory_space<hbm>> -> memref<1x1x2x80xi32, #tpu.memory_space<hbm>>
    %dma_wait3A_524 = tpu.memref_squeeze %dma_wait3A_523 : memref<1x1x2x80xi32, #tpu.memory_space<hbm>> -> memref<2x80xi32, #tpu.memory_space<hbm>>
    tpu.wait_dma2 semaphore(%arg10 : memref<!tpu.dma_semaphore, #tpu.memory_space<semaphore_mem>>) src(%dma_wait3A_524 : memref<2x80xi32, #tpu.memory_space<hbm>>) dst(%dma_wait3A_520 : memref<2x80xi32, #tpu.memory_space<vmem>>)
    %dma_start3A_525 = arith.constant 1 : i32
    %dma_start3A_526 = arith.constant 0 : i32
    %dma_start3A_527 = arith.constant 1 : i32
    %dma_start3A_528 = arith.constant 0 : i32
    %dma_start3A_529 = arith.constant 0 : i32
    %dma_start3A_530 = tpu.memref_slice %arg6[%dma_start3A_527, %dma_start3A_528, %dma_start3A_529] : memref<2x80x128xf32, #tpu.memory_space<vmem>> -> memref<1x80x128xf32, #tpu.memory_space<vmem>>
    %dma_start3A_531 = tpu.memref_squeeze %dma_start3A_530 : memref<1x80x128xf32, #tpu.memory_space<vmem>> -> memref<80x128xf32, #tpu.memory_space<vmem>>
    %dma_start3A_532 = arith.constant 0 : i32
    %dma_start3A_533 = tpu.memref_slice %arg5[%dma_start3A_525, %dma_start3A_526, %dma_start3A_532] : memref<2x2x80xi32, #tpu.memory_space<vmem>> -> memref<1x1x80xi32, #tpu.memory_space<vmem>>
    %dma_start3A_534 = tpu.memref_squeeze %dma_start3A_533 : memref<1x1x80xi32, #tpu.memory_space<vmem>> -> memref<80xi32, #tpu.memory_space<vmem>>
    %dma_start3A_535 = arith.constant 0 : i32
    %dma_start3A_536 = arith.constant 0 : i32
    %dma_start3A_537 = tpu.memref_slice %arg3[%dma_start3A_535, %dma_start3A_536] : memref<10000x128xf32, #tpu.memory_space<hbm>> -> memref<10000x128xf32, #tpu.memory_space<hbm>>
    tpu.enqueue_indirect_dma source(%dma_start3A_537 : memref<10000x128xf32, #tpu.memory_space<hbm>>) target(%dma_start3A_531 : memref<80x128xf32, #tpu.memory_space<vmem>>) offsets(%dma_start3A_534 : memref<80xi32, #tpu.memory_space<vmem>>) semaphore(%arg9 : memref<!tpu.dma_semaphore, #tpu.memory_space<semaphore_mem>>)
    %scan3A = arith.constant 0 : i32
    %scan3A_538 = arith.constant 0 : i32
    %scan3A_539 = arith.constant 61 : i32
    %scan3A_540 = arith.addi %scan3A_538, %scan3A_539 : i32
    %scan3A_541 = arith.constant 1 : i32
    scf.for %scan3A_691 = %scan3A_538 to %scan3A_540 step %scan3A_541  : i32 {
      %mul3A_692 = arith.constant 2 : i32
      %mul3A_693 = arith.muli %mul3A_692, %scan3A_691 : i32
      %add3A_694 = arith.constant 1 : i32
      %add3A_695 = arith.addi %add3A_694, %mul3A_693 : i32
      %dma_wait3A_696 = arith.constant 1 : i32
      %dma_wait3A_697 = arith.constant 0 : i32
      %dma_wait3A_698 = arith.constant 1 : i32
      %dma_wait3A_699 = arith.constant 0 : i32
      %dma_wait3A_700 = arith.constant 0 : i32
      %dma_wait3A_701 = tpu.memref_slice %arg6[%dma_wait3A_698, %dma_wait3A_699, %dma_wait3A_700] : memref<2x80x128xf32, #tpu.memory_space<vmem>> -> memref<1x80x128xf32, #tpu.memory_space<vmem>>
      %dma_wait3A_702 = tpu.memref_squeeze %dma_wait3A_701 : memref<1x80x128xf32, #tpu.memory_space<vmem>> -> memref<80x128xf32, #tpu.memory_space<vmem>>
      %dma_wait3A_703 = arith.constant 0 : i32
      %dma_wait3A_704 = tpu.memref_slice %arg5[%dma_wait3A_696, %dma_wait3A_697, %dma_wait3A_703] : memref<2x2x80xi32, #tpu.memory_space<vmem>> -> memref<1x1x80xi32, #tpu.memory_space<vmem>>
      %dma_wait3A_705 = tpu.memref_squeeze %dma_wait3A_704 : memref<1x1x80xi32, #tpu.memory_space<vmem>> -> memref<80xi32, #tpu.memory_space<vmem>>
      %dma_wait3A_706 = arith.constant 0 : i32
      %dma_wait3A_707 = arith.constant 0 : i32
      %dma_wait3A_708 = tpu.memref_slice %arg3[%dma_wait3A_706, %dma_wait3A_707] : memref<10000x128xf32, #tpu.memory_space<hbm>> -> memref<10000x128xf32, #tpu.memory_space<hbm>>
      tpu.wait_indirect_dma semaphore(%arg9 : memref<!tpu.dma_semaphore, #tpu.memory_space<semaphore_mem>>) src(%dma_wait3A_708 : memref<10000x128xf32, #tpu.memory_space<hbm>>) dst(%dma_wait3A_702 : memref<80x128xf32, #tpu.memory_space<vmem>>)
      %dma_start3A_709 = arith.constant 1 : i32
      %dma_start3A_710 = arith.constant 1 : i32
      %dma_start3A_711 = arith.constant 1 : i32
      %dma_start3A_712 = arith.constant 0 : i32
      %dma_start3A_713 = arith.constant 0 : i32
      %dma_start3A_714 = tpu.memref_slice %arg6[%dma_start3A_709, %dma_start3A_712, %dma_start3A_713] : memref<2x80x128xf32, #tpu.memory_space<vmem>> -> memref<1x80x128xf32, #tpu.memory_space<vmem>>
      %dma_start3A_715 = tpu.memref_squeeze %dma_start3A_714 : memref<1x80x128xf32, #tpu.memory_space<vmem>> -> memref<80x128xf32, #tpu.memory_space<vmem>>
      %dma_start3A_716 = arith.constant 0 : i32
      %dma_start3A_717 = tpu.memref_slice %arg5[%dma_start3A_710, %dma_start3A_711, %dma_start3A_716] : memref<2x2x80xi32, #tpu.memory_space<vmem>> -> memref<1x1x80xi32, #tpu.memory_space<vmem>>
      %dma_start3A_718 = tpu.memref_squeeze %dma_start3A_717 : memref<1x1x80xi32, #tpu.memory_space<vmem>> -> memref<80xi32, #tpu.memory_space<vmem>>
      %dma_start3A_719 = arith.constant 0 : i32
      %dma_start3A_720 = arith.constant 0 : i32
      %dma_start3A_721 = tpu.memref_slice %arg8[%dma_start3A_719, %dma_start3A_720] : memref<10000x128xf32, #tpu.memory_space<vmem_shared>> -> memref<10000x128xf32, #tpu.memory_space<vmem_shared>>
      tpu.enqueue_indirect_dma source(%dma_start3A_715 : memref<80x128xf32, #tpu.memory_space<vmem>>) target(%dma_start3A_721 : memref<10000x128xf32, #tpu.memory_space<vmem_shared>>) offsets(%dma_start3A_718 : memref<80xi32, #tpu.memory_space<vmem>>) semaphore(%arg11 : memref<!tpu.dma_semaphore, #tpu.memory_space<semaphore_mem>>) {add = true}
      %dma_wait3A_722 = arith.constant 0 : i32
      %dma_wait3A_723 = arith.constant 0 : i32
      %dma_wait3A_724 = arith.constant 1 : i32
      %dma_wait3A_725 = arith.constant 0 : i32
      %dma_wait3A_726 = arith.constant 0 : i32
      %dma_wait3A_727 = tpu.memref_slice %arg6[%dma_wait3A_722, %dma_wait3A_725, %dma_wait3A_726] : memref<2x80x128xf32, #tpu.memory_space<vmem>> -> memref<1x80x128xf32, #tpu.memory_space<vmem>>
      %dma_wait3A_728 = tpu.memref_squeeze %dma_wait3A_727 : memref<1x80x128xf32, #tpu.memory_space<vmem>> -> memref<80x128xf32, #tpu.memory_space<vmem>>
      %dma_wait3A_729 = arith.constant 0 : i32
      %dma_wait3A_730 = tpu.memref_slice %arg5[%dma_wait3A_723, %dma_wait3A_724, %dma_wait3A_729] : memref<2x2x80xi32, #tpu.memory_space<vmem>> -> memref<1x1x80xi32, #tpu.memory_space<vmem>>
      %dma_wait3A_731 = tpu.memref_squeeze %dma_wait3A_730 : memref<1x1x80xi32, #tpu.memory_space<vmem>> -> memref<80xi32, #tpu.memory_space<vmem>>
      %dma_wait3A_732 = arith.constant 0 : i32
      %dma_wait3A_733 = arith.constant 0 : i32
      %dma_wait3A_734 = tpu.memref_slice %arg8[%dma_wait3A_732, %dma_wait3A_733] : memref<10000x128xf32, #tpu.memory_space<vmem_shared>> -> memref<10000x128xf32, #tpu.memory_space<vmem_shared>>
      tpu.wait_indirect_dma semaphore(%arg11 : memref<!tpu.dma_semaphore, #tpu.memory_space<semaphore_mem>>) src(%dma_wait3A_728 : memref<80x128xf32, #tpu.memory_space<vmem>>) dst(%dma_wait3A_734 : memref<10000x128xf32, #tpu.memory_space<vmem_shared>>)
      %add3A_735 = arith.constant 1 : i32
      %add3A_736 = arith.addi %add3A_695, %add3A_735 : i32
      %dma_start3A_737 = arith.constant 0 : i32
      %dma_start3A_738 = arith.constant 0 : i32
      %dma_start3A_739 = arith.constant 0 : i32
      %dma_start3A_740 = tpu.memref_slice %arg5[%dma_start3A_737, %dma_start3A_738, %dma_start3A_739] : memref<2x2x80xi32, #tpu.memory_space<vmem>> -> memref<1x2x80xi32, #tpu.memory_space<vmem>>
      %dma_start3A_741 = tpu.memref_squeeze %dma_start3A_740 : memref<1x2x80xi32, #tpu.memory_space<vmem>> -> memref<2x80xi32, #tpu.memory_space<vmem>>
      %dma_start3A_742 = arith.constant 0 : i32
      %dma_start3A_743 = arith.constant 0 : i32
      %dma_start3A_744 = tpu.memref_slice %arg2[%add3A, %add3A_736, %dma_start3A_742, %dma_start3A_743] : memref<32x125x2x80xi32, #tpu.memory_space<hbm>> -> memref<1x1x2x80xi32, #tpu.memory_space<hbm>>
      %dma_start3A_745 = tpu.memref_squeeze %dma_start3A_744 : memref<1x1x2x80xi32, #tpu.memory_space<hbm>> -> memref<2x80xi32, #tpu.memory_space<hbm>>
      %dma_start3A_746 = arith.constant 0 : i32
      %dma_start3A_747 = arith.constant 0 : i32
      %dma_start3A_748 = tpu.memref_slice %arg5[%dma_start3A_737, %dma_start3A_746, %dma_start3A_747] : memref<2x2x80xi32, #tpu.memory_space<vmem>> -> memref<1x2x80xi32, #tpu.memory_space<vmem>>
      %dma_start3A_749 = tpu.memref_squeeze %dma_start3A_748 : memref<1x2x80xi32, #tpu.memory_space<vmem>> -> memref<2x80xi32, #tpu.memory_space<vmem>>
      %dma_start3A_750 = arith.constant 0 : i32
      %dma_start3A_751 = arith.constant 0 : i32
      %dma_start3A_752 = tpu.memref_slice %arg2[%add3A, %add3A_736, %dma_start3A_750, %dma_start3A_751] : memref<32x125x2x80xi32, #tpu.memory_space<hbm>> -> memref<1x1x2x80xi32, #tpu.memory_space<hbm>>
      %dma_start3A_753 = tpu.memref_squeeze %dma_start3A_752 : memref<1x1x2x80xi32, #tpu.memory_space<hbm>> -> memref<2x80xi32, #tpu.memory_space<hbm>>
      tpu.enqueue_dma source(%dma_start3A_753 : memref<2x80xi32, #tpu.memory_space<hbm>>) target(%dma_start3A_749 : memref<2x80xi32, #tpu.memory_space<vmem>>) target_semaphore(%arg10 : memref<!tpu.dma_semaphore, #tpu.memory_space<semaphore_mem>>)
      %add3A_754 = arith.constant 1 : i32
      %add3A_755 = arith.addi %add3A_695, %add3A_754 : i32
      %dma_wait3A_756 = arith.constant 0 : i32
      %dma_wait3A_757 = arith.constant 0 : i32
      %dma_wait3A_758 = arith.constant 0 : i32
      %dma_wait3A_759 = tpu.memref_slice %arg5[%dma_wait3A_756, %dma_wait3A_757, %dma_wait3A_758] : memref<2x2x80xi32, #tpu.memory_space<vmem>> -> memref<1x2x80xi32, #tpu.memory_space<vmem>>
      %dma_wait3A_760 = tpu.memref_squeeze %dma_wait3A_759 : memref<1x2x80xi32, #tpu.memory_space<vmem>> -> memref<2x80xi32, #tpu.memory_space<vmem>>
      %dma_wait3A_761 = arith.constant 0 : i32
      %dma_wait3A_762 = arith.constant 0 : i32
      %dma_wait3A_763 = tpu.memref_slice %arg2[%add3A, %add3A_755, %dma_wait3A_761, %dma_wait3A_762] : memref<32x125x2x80xi32, #tpu.memory_space<hbm>> -> memref<1x1x2x80xi32, #tpu.memory_space<hbm>>
      %dma_wait3A_764 = tpu.memref_squeeze %dma_wait3A_763 : memref<1x1x2x80xi32, #tpu.memory_space<hbm>> -> memref<2x80xi32, #tpu.memory_space<hbm>>
      %dma_wait3A_765 = arith.constant 0 : i32
      %dma_wait3A_766 = arith.constant 0 : i32
      %dma_wait3A_767 = tpu.memref_slice %arg5[%dma_wait3A_756, %dma_wait3A_765, %dma_wait3A_766] : memref<2x2x80xi32, #tpu.memory_space<vmem>> -> memref<1x2x80xi32, #tpu.memory_space<vmem>>
      %dma_wait3A_768 = tpu.memref_squeeze %dma_wait3A_767 : memref<1x2x80xi32, #tpu.memory_space<vmem>> -> memref<2x80xi32, #tpu.memory_space<vmem>>
      %dma_wait3A_769 = arith.constant 0 : i32
      %dma_wait3A_770 = arith.constant 0 : i32
      %dma_wait3A_771 = tpu.memref_slice %arg2[%add3A, %add3A_755, %dma_wait3A_769, %dma_wait3A_770] : memref<32x125x2x80xi32, #tpu.memory_space<hbm>> -> memref<1x1x2x80xi32, #tpu.memory_space<hbm>>
      %dma_wait3A_772 = tpu.memref_squeeze %dma_wait3A_771 : memref<1x1x2x80xi32, #tpu.memory_space<hbm>> -> memref<2x80xi32, #tpu.memory_space<hbm>>
      tpu.wait_dma2 semaphore(%arg10 : memref<!tpu.dma_semaphore, #tpu.memory_space<semaphore_mem>>) src(%dma_wait3A_772 : memref<2x80xi32, #tpu.memory_space<hbm>>) dst(%dma_wait3A_768 : memref<2x80xi32, #tpu.memory_space<vmem>>)
      %dma_start3A_773 = arith.constant 0 : i32
      %dma_start3A_774 = arith.constant 0 : i32
      %dma_start3A_775 = arith.constant 0 : i32
      %dma_start3A_776 = arith.constant 0 : i32
      %dma_start3A_777 = arith.constant 0 : i32
      %dma_start3A_778 = tpu.memref_slice %arg6[%dma_start3A_775, %dma_start3A_776, %dma_start3A_777] : memref<2x80x128xf32, #tpu.memory_space<vmem>> -> memref<1x80x128xf32, #tpu.memory_space<vmem>>
      %dma_start3A_779 = tpu.memref_squeeze %dma_start3A_778 : memref<1x80x128xf32, #tpu.memory_space<vmem>> -> memref<80x128xf32, #tpu.memory_space<vmem>>
      %dma_start3A_780 = arith.constant 0 : i32
      %dma_start3A_781 = tpu.memref_slice %arg5[%dma_start3A_773, %dma_start3A_774, %dma_start3A_780] : memref<2x2x80xi32, #tpu.memory_space<vmem>> -> memref<1x1x80xi32, #tpu.memory_space<vmem>>
      %dma_start3A_782 = tpu.memref_squeeze %dma_start3A_781 : memref<1x1x80xi32, #tpu.memory_space<vmem>> -> memref<80xi32, #tpu.memory_space<vmem>>
      %dma_start3A_783 = arith.constant 0 : i32
      %dma_start3A_784 = arith.constant 0 : i32
      %dma_start3A_785 = tpu.memref_slice %arg3[%dma_start3A_783, %dma_start3A_784] : memref<10000x128xf32, #tpu.memory_space<hbm>> -> memref<10000x128xf32, #tpu.memory_space<hbm>>
      tpu.enqueue_indirect_dma source(%dma_start3A_785 : memref<10000x128xf32, #tpu.memory_space<hbm>>) target(%dma_start3A_779 : memref<80x128xf32, #tpu.memory_space<vmem>>) offsets(%dma_start3A_782 : memref<80xi32, #tpu.memory_space<vmem>>) semaphore(%arg9 : memref<!tpu.dma_semaphore, #tpu.memory_space<semaphore_mem>>)
      %mul3A_786 = arith.constant 2 : i32
      %mul3A_787 = arith.muli %mul3A_786, %scan3A_691 : i32
      %add3A_788 = arith.constant 2 : i32
      %add3A_789 = arith.addi %add3A_788, %mul3A_787 : i32
      %dma_wait3A_790 = arith.constant 0 : i32
      %dma_wait3A_791 = arith.constant 0 : i32
      %dma_wait3A_792 = arith.constant 0 : i32
      %dma_wait3A_793 = arith.constant 0 : i32
      %dma_wait3A_794 = arith.constant 0 : i32
      %dma_wait3A_795 = tpu.memref_slice %arg6[%dma_wait3A_792, %dma_wait3A_793, %dma_wait3A_794] : memref<2x80x128xf32, #tpu.memory_space<vmem>> -> memref<1x80x128xf32, #tpu.memory_space<vmem>>
      %dma_wait3A_796 = tpu.memref_squeeze %dma_wait3A_795 : memref<1x80x128xf32, #tpu.memory_space<vmem>> -> memref<80x128xf32, #tpu.memory_space<vmem>>
      %dma_wait3A_797 = arith.constant 0 : i32
      %dma_wait3A_798 = tpu.memref_slice %arg5[%dma_wait3A_790, %dma_wait3A_791, %dma_wait3A_797] : memref<2x2x80xi32, #tpu.memory_space<vmem>> -> memref<1x1x80xi32, #tpu.memory_space<vmem>>
      %dma_wait3A_799 = tpu.memref_squeeze %dma_wait3A_798 : memref<1x1x80xi32, #tpu.memory_space<vmem>> -> memref<80xi32, #tpu.memory_space<vmem>>
      %dma_wait3A_800 = arith.constant 0 : i32
      %dma_wait3A_801 = arith.constant 0 : i32
      %dma_wait3A_802 = tpu.memref_slice %arg3[%dma_wait3A_800, %dma_wait3A_801] : memref<10000x128xf32, #tpu.memory_space<hbm>> -> memref<10000x128xf32, #tpu.memory_space<hbm>>
      tpu.wait_indirect_dma semaphore(%arg9 : memref<!tpu.dma_semaphore, #tpu.memory_space<semaphore_mem>>) src(%dma_wait3A_802 : memref<10000x128xf32, #tpu.memory_space<hbm>>) dst(%dma_wait3A_796 : memref<80x128xf32, #tpu.memory_space<vmem>>)
      %dma_start3A_803 = arith.constant 0 : i32
      %dma_start3A_804 = arith.constant 0 : i32
      %dma_start3A_805 = arith.constant 1 : i32
      %dma_start3A_806 = arith.constant 0 : i32
      %dma_start3A_807 = arith.constant 0 : i32
      %dma_start3A_808 = tpu.memref_slice %arg6[%dma_start3A_803, %dma_start3A_806, %dma_start3A_807] : memref<2x80x128xf32, #tpu.memory_space<vmem>> -> memref<1x80x128xf32, #tpu.memory_space<vmem>>
      %dma_start3A_809 = tpu.memref_squeeze %dma_start3A_808 : memref<1x80x128xf32, #tpu.memory_space<vmem>> -> memref<80x128xf32, #tpu.memory_space<vmem>>
      %dma_start3A_810 = arith.constant 0 : i32
      %dma_start3A_811 = tpu.memref_slice %arg5[%dma_start3A_804, %dma_start3A_805, %dma_start3A_810] : memref<2x2x80xi32, #tpu.memory_space<vmem>> -> memref<1x1x80xi32, #tpu.memory_space<vmem>>
      %dma_start3A_812 = tpu.memref_squeeze %dma_start3A_811 : memref<1x1x80xi32, #tpu.memory_space<vmem>> -> memref<80xi32, #tpu.memory_space<vmem>>
      %dma_start3A_813 = arith.constant 0 : i32
      %dma_start3A_814 = arith.constant 0 : i32
      %dma_start3A_815 = tpu.memref_slice %arg8[%dma_start3A_813, %dma_start3A_814] : memref<10000x128xf32, #tpu.memory_space<vmem_shared>> -> memref<10000x128xf32, #tpu.memory_space<vmem_shared>>
      tpu.enqueue_indirect_dma source(%dma_start3A_809 : memref<80x128xf32, #tpu.memory_space<vmem>>) target(%dma_start3A_815 : memref<10000x128xf32, #tpu.memory_space<vmem_shared>>) offsets(%dma_start3A_812 : memref<80xi32, #tpu.memory_space<vmem>>) semaphore(%arg11 : memref<!tpu.dma_semaphore, #tpu.memory_space<semaphore_mem>>) {add = true}
      %dma_wait3A_816 = arith.constant 1 : i32
      %dma_wait3A_817 = arith.constant 1 : i32
      %dma_wait3A_818 = arith.constant 1 : i32
      %dma_wait3A_819 = arith.constant 0 : i32
      %dma_wait3A_820 = arith.constant 0 : i32
      %dma_wait3A_821 = tpu.memref_slice %arg6[%dma_wait3A_816, %dma_wait3A_819, %dma_wait3A_820] : memref<2x80x128xf32, #tpu.memory_space<vmem>> -> memref<1x80x128xf32, #tpu.memory_space<vmem>>
      %dma_wait3A_822 = tpu.memref_squeeze %dma_wait3A_821 : memref<1x80x128xf32, #tpu.memory_space<vmem>> -> memref<80x128xf32, #tpu.memory_space<vmem>>
      %dma_wait3A_823 = arith.constant 0 : i32
      %dma_wait3A_824 = tpu.memref_slice %arg5[%dma_wait3A_817, %dma_wait3A_818, %dma_wait3A_823] : memref<2x2x80xi32, #tpu.memory_space<vmem>> -> memref<1x1x80xi32, #tpu.memory_space<vmem>>
      %dma_wait3A_825 = tpu.memref_squeeze %dma_wait3A_824 : memref<1x1x80xi32, #tpu.memory_space<vmem>> -> memref<80xi32, #tpu.memory_space<vmem>>
      %dma_wait3A_826 = arith.constant 0 : i32
      %dma_wait3A_827 = arith.constant 0 : i32
      %dma_wait3A_828 = tpu.memref_slice %arg8[%dma_wait3A_826, %dma_wait3A_827] : memref<10000x128xf32, #tpu.memory_space<vmem_shared>> -> memref<10000x128xf32, #tpu.memory_space<vmem_shared>>
      tpu.wait_indirect_dma semaphore(%arg11 : memref<!tpu.dma_semaphore, #tpu.memory_space<semaphore_mem>>) src(%dma_wait3A_822 : memref<80x128xf32, #tpu.memory_space<vmem>>) dst(%dma_wait3A_828 : memref<10000x128xf32, #tpu.memory_space<vmem_shared>>)
      %add3A_829 = arith.constant 1 : i32
      %add3A_830 = arith.addi %add3A_789, %add3A_829 : i32
      %dma_start3A_831 = arith.constant 1 : i32
      %dma_start3A_832 = arith.constant 0 : i32
      %dma_start3A_833 = arith.constant 0 : i32
      %dma_start3A_834 = tpu.memref_slice %arg5[%dma_start3A_831, %dma_start3A_832, %dma_start3A_833] : memref<2x2x80xi32, #tpu.memory_space<vmem>> -> memref<1x2x80xi32, #tpu.memory_space<vmem>>
      %dma_start3A_835 = tpu.memref_squeeze %dma_start3A_834 : memref<1x2x80xi32, #tpu.memory_space<vmem>> -> memref<2x80xi32, #tpu.memory_space<vmem>>
      %dma_start3A_836 = arith.constant 0 : i32
      %dma_start3A_837 = arith.constant 0 : i32
      %dma_start3A_838 = tpu.memref_slice %arg2[%add3A, %add3A_830, %dma_start3A_836, %dma_start3A_837] : memref<32x125x2x80xi32, #tpu.memory_space<hbm>> -> memref<1x1x2x80xi32, #tpu.memory_space<hbm>>
      %dma_start3A_839 = tpu.memref_squeeze %dma_start3A_838 : memref<1x1x2x80xi32, #tpu.memory_space<hbm>> -> memref<2x80xi32, #tpu.memory_space<hbm>>
      %dma_start3A_840 = arith.constant 0 : i32
      %dma_start3A_841 = arith.constant 0 : i32
      %dma_start3A_842 = tpu.memref_slice %arg5[%dma_start3A_831, %dma_start3A_840, %dma_start3A_841] : memref<2x2x80xi32, #tpu.memory_space<vmem>> -> memref<1x2x80xi32, #tpu.memory_space<vmem>>
      %dma_start3A_843 = tpu.memref_squeeze %dma_start3A_842 : memref<1x2x80xi32, #tpu.memory_space<vmem>> -> memref<2x80xi32, #tpu.memory_space<vmem>>
      %dma_start3A_844 = arith.constant 0 : i32
      %dma_start3A_845 = arith.constant 0 : i32
      %dma_start3A_846 = tpu.memref_slice %arg2[%add3A, %add3A_830, %dma_start3A_844, %dma_start3A_845] : memref<32x125x2x80xi32, #tpu.memory_space<hbm>> -> memref<1x1x2x80xi32, #tpu.memory_space<hbm>>
      %dma_start3A_847 = tpu.memref_squeeze %dma_start3A_846 : memref<1x1x2x80xi32, #tpu.memory_space<hbm>> -> memref<2x80xi32, #tpu.memory_space<hbm>>
      tpu.enqueue_dma source(%dma_start3A_847 : memref<2x80xi32, #tpu.memory_space<hbm>>) target(%dma_start3A_843 : memref<2x80xi32, #tpu.memory_space<vmem>>) target_semaphore(%arg10 : memref<!tpu.dma_semaphore, #tpu.memory_space<semaphore_mem>>)
      %add3A_848 = arith.constant 1 : i32
      %add3A_849 = arith.addi %add3A_789, %add3A_848 : i32
      %dma_wait3A_850 = arith.constant 1 : i32
      %dma_wait3A_851 = arith.constant 0 : i32
      %dma_wait3A_852 = arith.constant 0 : i32
      %dma_wait3A_853 = tpu.memref_slice %arg5[%dma_wait3A_850, %dma_wait3A_851, %dma_wait3A_852] : memref<2x2x80xi32, #tpu.memory_space<vmem>> -> memref<1x2x80xi32, #tpu.memory_space<vmem>>
      %dma_wait3A_854 = tpu.memref_squeeze %dma_wait3A_853 : memref<1x2x80xi32, #tpu.memory_space<vmem>> -> memref<2x80xi32, #tpu.memory_space<vmem>>
      %dma_wait3A_855 = arith.constant 0 : i32
      %dma_wait3A_856 = arith.constant 0 : i32
      %dma_wait3A_857 = tpu.memref_slice %arg2[%add3A, %add3A_849, %dma_wait3A_855, %dma_wait3A_856] : memref<32x125x2x80xi32, #tpu.memory_space<hbm>> -> memref<1x1x2x80xi32, #tpu.memory_space<hbm>>
      %dma_wait3A_858 = tpu.memref_squeeze %dma_wait3A_857 : memref<1x1x2x80xi32, #tpu.memory_space<hbm>> -> memref<2x80xi32, #tpu.memory_space<hbm>>
      %dma_wait3A_859 = arith.constant 0 : i32
      %dma_wait3A_860 = arith.constant 0 : i32
      %dma_wait3A_861 = tpu.memref_slice %arg5[%dma_wait3A_850, %dma_wait3A_859, %dma_wait3A_860] : memref<2x2x80xi32, #tpu.memory_space<vmem>> -> memref<1x2x80xi32, #tpu.memory_space<vmem>>
      %dma_wait3A_862 = tpu.memref_squeeze %dma_wait3A_861 : memref<1x2x80xi32, #tpu.memory_space<vmem>> -> memref<2x80xi32, #tpu.memory_space<vmem>>
      %dma_wait3A_863 = arith.constant 0 : i32
      %dma_wait3A_864 = arith.constant 0 : i32
      %dma_wait3A_865 = tpu.memref_slice %arg2[%add3A, %add3A_849, %dma_wait3A_863, %dma_wait3A_864] : memref<32x125x2x80xi32, #tpu.memory_space<hbm>> -> memref<1x1x2x80xi32, #tpu.memory_space<hbm>>
      %dma_wait3A_866 = tpu.memref_squeeze %dma_wait3A_865 : memref<1x1x2x80xi32, #tpu.memory_space<hbm>> -> memref<2x80xi32, #tpu.memory_space<hbm>>
      tpu.wait_dma2 semaphore(%arg10 : memref<!tpu.dma_semaphore, #tpu.memory_space<semaphore_mem>>) src(%dma_wait3A_866 : memref<2x80xi32, #tpu.memory_space<hbm>>) dst(%dma_wait3A_862 : memref<2x80xi32, #tpu.memory_space<vmem>>)
      %dma_start3A_867 = arith.constant 1 : i32
      %dma_start3A_868 = arith.constant 0 : i32
      %dma_start3A_869 = arith.constant 1 : i32
      %dma_start3A_870 = arith.constant 0 : i32
      %dma_start3A_871 = arith.constant 0 : i32
      %dma_start3A_872 = tpu.memref_slice %arg6[%dma_start3A_869, %dma_start3A_870, %dma_start3A_871] : memref<2x80x128xf32, #tpu.memory_space<vmem>> -> memref<1x80x128xf32, #tpu.memory_space<vmem>>
      %dma_start3A_873 = tpu.memref_squeeze %dma_start3A_872 : memref<1x80x128xf32, #tpu.memory_space<vmem>> -> memref<80x128xf32, #tpu.memory_space<vmem>>
      %dma_start3A_874 = arith.constant 0 : i32
      %dma_start3A_875 = tpu.memref_slice %arg5[%dma_start3A_867, %dma_start3A_868, %dma_start3A_874] : memref<2x2x80xi32, #tpu.memory_space<vmem>> -> memref<1x1x80xi32, #tpu.memory_space<vmem>>
      %dma_start3A_876 = tpu.memref_squeeze %dma_start3A_875 : memref<1x1x80xi32, #tpu.memory_space<vmem>> -> memref<80xi32, #tpu.memory_space<vmem>>
      %dma_start3A_877 = arith.constant 0 : i32
      %dma_start3A_878 = arith.constant 0 : i32
      %dma_start3A_879 = tpu.memref_slice %arg3[%dma_start3A_877, %dma_start3A_878] : memref<10000x128xf32, #tpu.memory_space<hbm>> -> memref<10000x128xf32, #tpu.memory_space<hbm>>
      tpu.enqueue_indirect_dma source(%dma_start3A_879 : memref<10000x128xf32, #tpu.memory_space<hbm>>) target(%dma_start3A_873 : memref<80x128xf32, #tpu.memory_space<vmem>>) offsets(%dma_start3A_876 : memref<80xi32, #tpu.memory_space<vmem>>) semaphore(%arg9 : memref<!tpu.dma_semaphore, #tpu.memory_space<semaphore_mem>>)
    }
    %scan3A_542 = arith.constant 61 : i32
    %dma_wait3A_543 = arith.constant 1 : i32
    %dma_wait3A_544 = arith.constant 0 : i32
    %dma_wait3A_545 = arith.constant 1 : i32
    %dma_wait3A_546 = arith.constant 0 : i32
    %dma_wait3A_547 = arith.constant 0 : i32
    %dma_wait3A_548 = tpu.memref_slice %arg6[%dma_wait3A_545, %dma_wait3A_546, %dma_wait3A_547] : memref<2x80x128xf32, #tpu.memory_space<vmem>> -> memref<1x80x128xf32, #tpu.memory_space<vmem>>
    %dma_wait3A_549 = tpu.memref_squeeze %dma_wait3A_548 : memref<1x80x128xf32, #tpu.memory_space<vmem>> -> memref<80x128xf32, #tpu.memory_space<vmem>>
    %dma_wait3A_550 = arith.constant 0 : i32
    %dma_wait3A_551 = tpu.memref_slice %arg5[%dma_wait3A_543, %dma_wait3A_544, %dma_wait3A_550] : memref<2x2x80xi32, #tpu.memory_space<vmem>> -> memref<1x1x80xi32, #tpu.memory_space<vmem>>
    %dma_wait3A_552 = tpu.memref_squeeze %dma_wait3A_551 : memref<1x1x80xi32, #tpu.memory_space<vmem>> -> memref<80xi32, #tpu.memory_space<vmem>>
    %dma_wait3A_553 = arith.constant 0 : i32
    %dma_wait3A_554 = arith.constant 0 : i32
    %dma_wait3A_555 = tpu.memref_slice %arg3[%dma_wait3A_553, %dma_wait3A_554] : memref<10000x128xf32, #tpu.memory_space<hbm>> -> memref<10000x128xf32, #tpu.memory_space<hbm>>
    tpu.wait_indirect_dma semaphore(%arg9 : memref<!tpu.dma_semaphore, #tpu.memory_space<semaphore_mem>>) src(%dma_wait3A_555 : memref<10000x128xf32, #tpu.memory_space<hbm>>) dst(%dma_wait3A_549 : memref<80x128xf32, #tpu.memory_space<vmem>>)
    %dma_start3A_556 = arith.constant 1 : i32
    %dma_start3A_557 = arith.constant 1 : i32
    %dma_start3A_558 = arith.constant 1 : i32
    %dma_start3A_559 = arith.constant 0 : i32
    %dma_start3A_560 = arith.constant 0 : i32
    %dma_start3A_561 = tpu.memref_slice %arg6[%dma_start3A_556, %dma_start3A_559, %dma_start3A_560] : memref<2x80x128xf32, #tpu.memory_space<vmem>> -> memref<1x80x128xf32, #tpu.memory_space<vmem>>
    %dma_start3A_562 = tpu.memref_squeeze %dma_start3A_561 : memref<1x80x128xf32, #tpu.memory_space<vmem>> -> memref<80x128xf32, #tpu.memory_space<vmem>>
    %dma_start3A_563 = arith.constant 0 : i32
    %dma_start3A_564 = tpu.memref_slice %arg5[%dma_start3A_557, %dma_start3A_558, %dma_start3A_563] : memref<2x2x80xi32, #tpu.memory_space<vmem>> -> memref<1x1x80xi32, #tpu.memory_space<vmem>>
    %dma_start3A_565 = tpu.memref_squeeze %dma_start3A_564 : memref<1x1x80xi32, #tpu.memory_space<vmem>> -> memref<80xi32, #tpu.memory_space<vmem>>
    %dma_start3A_566 = arith.constant 0 : i32
    %dma_start3A_567 = arith.constant 0 : i32
    %dma_start3A_568 = tpu.memref_slice %arg8[%dma_start3A_566, %dma_start3A_567] : memref<10000x128xf32, #tpu.memory_space<vmem_shared>> -> memref<10000x128xf32, #tpu.memory_space<vmem_shared>>
    tpu.enqueue_indirect_dma source(%dma_start3A_562 : memref<80x128xf32, #tpu.memory_space<vmem>>) target(%dma_start3A_568 : memref<10000x128xf32, #tpu.memory_space<vmem_shared>>) offsets(%dma_start3A_565 : memref<80xi32, #tpu.memory_space<vmem>>) semaphore(%arg11 : memref<!tpu.dma_semaphore, #tpu.memory_space<semaphore_mem>>) {add = true}
    %dma_wait3A_569 = arith.constant 0 : i32
    %dma_wait3A_570 = arith.constant 0 : i32
    %dma_wait3A_571 = arith.constant 1 : i32
    %dma_wait3A_572 = arith.constant 0 : i32
    %dma_wait3A_573 = arith.constant 0 : i32
    %dma_wait3A_574 = tpu.memref_slice %arg6[%dma_wait3A_569, %dma_wait3A_572, %dma_wait3A_573] : memref<2x80x128xf32, #tpu.memory_space<vmem>> -> memref<1x80x128xf32, #tpu.memory_space<vmem>>
    %dma_wait3A_575 = tpu.memref_squeeze %dma_wait3A_574 : memref<1x80x128xf32, #tpu.memory_space<vmem>> -> memref<80x128xf32, #tpu.memory_space<vmem>>
    %dma_wait3A_576 = arith.constant 0 : i32
    %dma_wait3A_577 = tpu.memref_slice %arg5[%dma_wait3A_570, %dma_wait3A_571, %dma_wait3A_576] : memref<2x2x80xi32, #tpu.memory_space<vmem>> -> memref<1x1x80xi32, #tpu.memory_space<vmem>>
    %dma_wait3A_578 = tpu.memref_squeeze %dma_wait3A_577 : memref<1x1x80xi32, #tpu.memory_space<vmem>> -> memref<80xi32, #tpu.memory_space<vmem>>
    %dma_wait3A_579 = arith.constant 0 : i32
    %dma_wait3A_580 = arith.constant 0 : i32
    %dma_wait3A_581 = tpu.memref_slice %arg8[%dma_wait3A_579, %dma_wait3A_580] : memref<10000x128xf32, #tpu.memory_space<vmem_shared>> -> memref<10000x128xf32, #tpu.memory_space<vmem_shared>>
    tpu.wait_indirect_dma semaphore(%arg11 : memref<!tpu.dma_semaphore, #tpu.memory_space<semaphore_mem>>) src(%dma_wait3A_575 : memref<80x128xf32, #tpu.memory_space<vmem>>) dst(%dma_wait3A_581 : memref<10000x128xf32, #tpu.memory_space<vmem_shared>>)
    %dma_start3A_582 = arith.constant 124 : i32
    %dma_start3A_583 = arith.constant 0 : i32
    %dma_start3A_584 = arith.constant 0 : i32
    %dma_start3A_585 = arith.constant 0 : i32
    %dma_start3A_586 = tpu.memref_slice %arg5[%dma_start3A_583, %dma_start3A_584, %dma_start3A_585] : memref<2x2x80xi32, #tpu.memory_space<vmem>> -> memref<1x2x80xi32, #tpu.memory_space<vmem>>
    %dma_start3A_587 = tpu.memref_squeeze %dma_start3A_586 : memref<1x2x80xi32, #tpu.memory_space<vmem>> -> memref<2x80xi32, #tpu.memory_space<vmem>>
    %dma_start3A_588 = arith.constant 0 : i32
    %dma_start3A_589 = arith.constant 0 : i32
    %dma_start3A_590 = tpu.memref_slice %arg2[%add3A, %dma_start3A_582, %dma_start3A_588, %dma_start3A_589] : memref<32x125x2x80xi32, #tpu.memory_space<hbm>> -> memref<1x1x2x80xi32, #tpu.memory_space<hbm>>
    %dma_start3A_591 = tpu.memref_squeeze %dma_start3A_590 : memref<1x1x2x80xi32, #tpu.memory_space<hbm>> -> memref<2x80xi32, #tpu.memory_space<hbm>>
    %dma_start3A_592 = arith.constant 0 : i32
    %dma_start3A_593 = arith.constant 0 : i32
    %dma_start3A_594 = tpu.memref_slice %arg5[%dma_start3A_583, %dma_start3A_592, %dma_start3A_593] : memref<2x2x80xi32, #tpu.memory_space<vmem>> -> memref<1x2x80xi32, #tpu.memory_space<vmem>>
    %dma_start3A_595 = tpu.memref_squeeze %dma_start3A_594 : memref<1x2x80xi32, #tpu.memory_space<vmem>> -> memref<2x80xi32, #tpu.memory_space<vmem>>
    %dma_start3A_596 = arith.constant 0 : i32
    %dma_start3A_597 = arith.constant 0 : i32
    %dma_start3A_598 = tpu.memref_slice %arg2[%add3A, %dma_start3A_582, %dma_start3A_596, %dma_start3A_597] : memref<32x125x2x80xi32, #tpu.memory_space<hbm>> -> memref<1x1x2x80xi32, #tpu.memory_space<hbm>>
    %dma_start3A_599 = tpu.memref_squeeze %dma_start3A_598 : memref<1x1x2x80xi32, #tpu.memory_space<hbm>> -> memref<2x80xi32, #tpu.memory_space<hbm>>
    tpu.enqueue_dma source(%dma_start3A_599 : memref<2x80xi32, #tpu.memory_space<hbm>>) target(%dma_start3A_595 : memref<2x80xi32, #tpu.memory_space<vmem>>) target_semaphore(%arg10 : memref<!tpu.dma_semaphore, #tpu.memory_space<semaphore_mem>>)
    %dma_wait3A_600 = arith.constant 124 : i32
    %dma_wait3A_601 = arith.constant 0 : i32
    %dma_wait3A_602 = arith.constant 0 : i32
    %dma_wait3A_603 = arith.constant 0 : i32
    %dma_wait3A_604 = tpu.memref_slice %arg5[%dma_wait3A_601, %dma_wait3A_602, %dma_wait3A_603] : memref<2x2x80xi32, #tpu.memory_space<vmem>> -> memref<1x2x80xi32, #tpu.memory_space<vmem>>
    %dma_wait3A_605 = tpu.memref_squeeze %dma_wait3A_604 : memref<1x2x80xi32, #tpu.memory_space<vmem>> -> memref<2x80xi32, #tpu.memory_space<vmem>>
    %dma_wait3A_606 = arith.constant 0 : i32
    %dma_wait3A_607 = arith.constant 0 : i32
    %dma_wait3A_608 = tpu.memref_slice %arg2[%add3A, %dma_wait3A_600, %dma_wait3A_606, %dma_wait3A_607] : memref<32x125x2x80xi32, #tpu.memory_space<hbm>> -> memref<1x1x2x80xi32, #tpu.memory_space<hbm>>
    %dma_wait3A_609 = tpu.memref_squeeze %dma_wait3A_608 : memref<1x1x2x80xi32, #tpu.memory_space<hbm>> -> memref<2x80xi32, #tpu.memory_space<hbm>>
    %dma_wait3A_610 = arith.constant 0 : i32
    %dma_wait3A_611 = arith.constant 0 : i32
    %dma_wait3A_612 = tpu.memref_slice %arg5[%dma_wait3A_601, %dma_wait3A_610, %dma_wait3A_611] : memref<2x2x80xi32, #tpu.memory_space<vmem>> -> memref<1x2x80xi32, #tpu.memory_space<vmem>>
    %dma_wait3A_613 = tpu.memref_squeeze %dma_wait3A_612 : memref<1x2x80xi32, #tpu.memory_space<vmem>> -> memref<2x80xi32, #tpu.memory_space<vmem>>
    %dma_wait3A_614 = arith.constant 0 : i32
    %dma_wait3A_615 = arith.constant 0 : i32
    %dma_wait3A_616 = tpu.memref_slice %arg2[%add3A, %dma_wait3A_600, %dma_wait3A_614, %dma_wait3A_615] : memref<32x125x2x80xi32, #tpu.memory_space<hbm>> -> memref<1x1x2x80xi32, #tpu.memory_space<hbm>>
    %dma_wait3A_617 = tpu.memref_squeeze %dma_wait3A_616 : memref<1x1x2x80xi32, #tpu.memory_space<hbm>> -> memref<2x80xi32, #tpu.memory_space<hbm>>
    tpu.wait_dma2 semaphore(%arg10 : memref<!tpu.dma_semaphore, #tpu.memory_space<semaphore_mem>>) src(%dma_wait3A_617 : memref<2x80xi32, #tpu.memory_space<hbm>>) dst(%dma_wait3A_613 : memref<2x80xi32, #tpu.memory_space<vmem>>)
    %dma_start3A_618 = arith.constant 0 : i32
    %dma_start3A_619 = arith.constant 0 : i32
    %dma_start3A_620 = arith.constant 0 : i32
    %dma_start3A_621 = arith.constant 0 : i32
    %dma_start3A_622 = arith.constant 0 : i32
    %dma_start3A_623 = tpu.memref_slice %arg6[%dma_start3A_620, %dma_start3A_621, %dma_start3A_622] : memref<2x80x128xf32, #tpu.memory_space<vmem>> -> memref<1x80x128xf32, #tpu.memory_space<vmem>>
    %dma_start3A_624 = tpu.memref_squeeze %dma_start3A_623 : memref<1x80x128xf32, #tpu.memory_space<vmem>> -> memref<80x128xf32, #tpu.memory_space<vmem>>
    %dma_start3A_625 = arith.constant 0 : i32
    %dma_start3A_626 = tpu.memref_slice %arg5[%dma_start3A_618, %dma_start3A_619, %dma_start3A_625] : memref<2x2x80xi32, #tpu.memory_space<vmem>> -> memref<1x1x80xi32, #tpu.memory_space<vmem>>
    %dma_start3A_627 = tpu.memref_squeeze %dma_start3A_626 : memref<1x1x80xi32, #tpu.memory_space<vmem>> -> memref<80xi32, #tpu.memory_space<vmem>>
    %dma_start3A_628 = arith.constant 0 : i32
    %dma_start3A_629 = arith.constant 0 : i32
    %dma_start3A_630 = tpu.memref_slice %arg3[%dma_start3A_628, %dma_start3A_629] : memref<10000x128xf32, #tpu.memory_space<hbm>> -> memref<10000x128xf32, #tpu.memory_space<hbm>>
    tpu.enqueue_indirect_dma source(%dma_start3A_630 : memref<10000x128xf32, #tpu.memory_space<hbm>>) target(%dma_start3A_624 : memref<80x128xf32, #tpu.memory_space<vmem>>) offsets(%dma_start3A_627 : memref<80xi32, #tpu.memory_space<vmem>>) semaphore(%arg9 : memref<!tpu.dma_semaphore, #tpu.memory_space<semaphore_mem>>)
    %dma_wait3A_631 = arith.constant 0 : i32
    %dma_wait3A_632 = arith.constant 0 : i32
    %dma_wait3A_633 = arith.constant 0 : i32
    %dma_wait3A_634 = arith.constant 0 : i32
    %dma_wait3A_635 = arith.constant 0 : i32
    %dma_wait3A_636 = tpu.memref_slice %arg6[%dma_wait3A_633, %dma_wait3A_634, %dma_wait3A_635] : memref<2x80x128xf32, #tpu.memory_space<vmem>> -> memref<1x80x128xf32, #tpu.memory_space<vmem>>
    %dma_wait3A_637 = tpu.memref_squeeze %dma_wait3A_636 : memref<1x80x128xf32, #tpu.memory_space<vmem>> -> memref<80x128xf32, #tpu.memory_space<vmem>>
    %dma_wait3A_638 = arith.constant 0 : i32
    %dma_wait3A_639 = tpu.memref_slice %arg5[%dma_wait3A_631, %dma_wait3A_632, %dma_wait3A_638] : memref<2x2x80xi32, #tpu.memory_space<vmem>> -> memref<1x1x80xi32, #tpu.memory_space<vmem>>
    %dma_wait3A_640 = tpu.memref_squeeze %dma_wait3A_639 : memref<1x1x80xi32, #tpu.memory_space<vmem>> -> memref<80xi32, #tpu.memory_space<vmem>>
    %dma_wait3A_641 = arith.constant 0 : i32
    %dma_wait3A_642 = arith.constant 0 : i32
    %dma_wait3A_643 = tpu.memref_slice %arg3[%dma_wait3A_641, %dma_wait3A_642] : memref<10000x128xf32, #tpu.memory_space<hbm>> -> memref<10000x128xf32, #tpu.memory_space<hbm>>
    tpu.wait_indirect_dma semaphore(%arg9 : memref<!tpu.dma_semaphore, #tpu.memory_space<semaphore_mem>>) src(%dma_wait3A_643 : memref<10000x128xf32, #tpu.memory_space<hbm>>) dst(%dma_wait3A_637 : memref<80x128xf32, #tpu.memory_space<vmem>>)
    %dma_start3A_644 = arith.constant 0 : i32
    %dma_start3A_645 = arith.constant 0 : i32
    %dma_start3A_646 = arith.constant 1 : i32
    %dma_start3A_647 = arith.constant 0 : i32
    %dma_start3A_648 = arith.constant 0 : i32
    %dma_start3A_649 = tpu.memref_slice %arg6[%dma_start3A_644, %dma_start3A_647, %dma_start3A_648] : memref<2x80x128xf32, #tpu.memory_space<vmem>> -> memref<1x80x128xf32, #tpu.memory_space<vmem>>
    %dma_start3A_650 = tpu.memref_squeeze %dma_start3A_649 : memref<1x80x128xf32, #tpu.memory_space<vmem>> -> memref<80x128xf32, #tpu.memory_space<vmem>>
    %dma_start3A_651 = arith.constant 0 : i32
    %dma_start3A_652 = tpu.memref_slice %arg5[%dma_start3A_645, %dma_start3A_646, %dma_start3A_651] : memref<2x2x80xi32, #tpu.memory_space<vmem>> -> memref<1x1x80xi32, #tpu.memory_space<vmem>>
    %dma_start3A_653 = tpu.memref_squeeze %dma_start3A_652 : memref<1x1x80xi32, #tpu.memory_space<vmem>> -> memref<80xi32, #tpu.memory_space<vmem>>
    %dma_start3A_654 = arith.constant 0 : i32
    %dma_start3A_655 = arith.constant 0 : i32
    %dma_start3A_656 = tpu.memref_slice %arg8[%dma_start3A_654, %dma_start3A_655] : memref<10000x128xf32, #tpu.memory_space<vmem_shared>> -> memref<10000x128xf32, #tpu.memory_space<vmem_shared>>
    tpu.enqueue_indirect_dma source(%dma_start3A_650 : memref<80x128xf32, #tpu.memory_space<vmem>>) target(%dma_start3A_656 : memref<10000x128xf32, #tpu.memory_space<vmem_shared>>) offsets(%dma_start3A_653 : memref<80xi32, #tpu.memory_space<vmem>>) semaphore(%arg11 : memref<!tpu.dma_semaphore, #tpu.memory_space<semaphore_mem>>) {add = true}
    %dma_wait3A_657 = arith.constant 1 : i32
    %dma_wait3A_658 = arith.constant 1 : i32
    %dma_wait3A_659 = arith.constant 1 : i32
    %dma_wait3A_660 = arith.constant 0 : i32
    %dma_wait3A_661 = arith.constant 0 : i32
    %dma_wait3A_662 = tpu.memref_slice %arg6[%dma_wait3A_657, %dma_wait3A_660, %dma_wait3A_661] : memref<2x80x128xf32, #tpu.memory_space<vmem>> -> memref<1x80x128xf32, #tpu.memory_space<vmem>>
    %dma_wait3A_663 = tpu.memref_squeeze %dma_wait3A_662 : memref<1x80x128xf32, #tpu.memory_space<vmem>> -> memref<80x128xf32, #tpu.memory_space<vmem>>
    %dma_wait3A_664 = arith.constant 0 : i32
    %dma_wait3A_665 = tpu.memref_slice %arg5[%dma_wait3A_658, %dma_wait3A_659, %dma_wait3A_664] : memref<2x2x80xi32, #tpu.memory_space<vmem>> -> memref<1x1x80xi32, #tpu.memory_space<vmem>>
    %dma_wait3A_666 = tpu.memref_squeeze %dma_wait3A_665 : memref<1x1x80xi32, #tpu.memory_space<vmem>> -> memref<80xi32, #tpu.memory_space<vmem>>
    %dma_wait3A_667 = arith.constant 0 : i32
    %dma_wait3A_668 = arith.constant 0 : i32
    %dma_wait3A_669 = tpu.memref_slice %arg8[%dma_wait3A_667, %dma_wait3A_668] : memref<10000x128xf32, #tpu.memory_space<vmem_shared>> -> memref<10000x128xf32, #tpu.memory_space<vmem_shared>>
    tpu.wait_indirect_dma semaphore(%arg11 : memref<!tpu.dma_semaphore, #tpu.memory_space<semaphore_mem>>) src(%dma_wait3A_663 : memref<80x128xf32, #tpu.memory_space<vmem>>) dst(%dma_wait3A_669 : memref<10000x128xf32, #tpu.memory_space<vmem_shared>>)
    %dma_wait3A_670 = arith.constant 0 : i32
    %dma_wait3A_671 = arith.constant 0 : i32
    %dma_wait3A_672 = arith.constant 1 : i32
    %dma_wait3A_673 = arith.constant 0 : i32
    %dma_wait3A_674 = arith.constant 0 : i32
    %dma_wait3A_675 = tpu.memref_slice %arg6[%dma_wait3A_670, %dma_wait3A_673, %dma_wait3A_674] : memref<2x80x128xf32, #tpu.memory_space<vmem>> -> memref<1x80x128xf32, #tpu.memory_space<vmem>>
    %dma_wait3A_676 = tpu.memref_squeeze %dma_wait3A_675 : memref<1x80x128xf32, #tpu.memory_space<vmem>> -> memref<80x128xf32, #tpu.memory_space<vmem>>
    %dma_wait3A_677 = arith.constant 0 : i32
    %dma_wait3A_678 = tpu.memref_slice %arg5[%dma_wait3A_671, %dma_wait3A_672, %dma_wait3A_677] : memref<2x2x80xi32, #tpu.memory_space<vmem>> -> memref<1x1x80xi32, #tpu.memory_space<vmem>>
    %dma_wait3A_679 = tpu.memref_squeeze %dma_wait3A_678 : memref<1x1x80xi32, #tpu.memory_space<vmem>> -> memref<80xi32, #tpu.memory_space<vmem>>
    %dma_wait3A_680 = arith.constant 0 : i32
    %dma_wait3A_681 = arith.constant 0 : i32
    %dma_wait3A_682 = tpu.memref_slice %arg8[%dma_wait3A_680, %dma_wait3A_681] : memref<10000x128xf32, #tpu.memory_space<vmem_shared>> -> memref<10000x128xf32, #tpu.memory_space<vmem_shared>>
    tpu.wait_indirect_dma semaphore(%arg11 : memref<!tpu.dma_semaphore, #tpu.memory_space<semaphore_mem>>) src(%dma_wait3A_676 : memref<80x128xf32, #tpu.memory_space<vmem>>) dst(%dma_wait3A_682 : memref<10000x128xf32, #tpu.memory_space<vmem_shared>>)
    %barrier3A_683 = arith.constant 0 : index
    tpu.barrier barrier_id(%barrier3A_683)
    %lt3A = arith.constant 15 : i32
    %lt3A_684 = arith.cmpi slt, %arg1, %lt3A : i32
    %convert_element_type3A = arith.extui %lt3A_684 : i1 to i32
    %cond3A = arith.constant 0 : i32
    %cond3A_685 = arith.cmpi ne, %convert_element_type3A, %cond3A : i32
    scf.if %cond3A_685 {
      "tpu.region"() ({
        %run_scoped3A = tpu.sem_alloc : memref<!tpu.dma_semaphore, #tpu.memory_space<semaphore_mem>>
        %dma_start3A_691 = arith.constant 0 : i32
        %dma_start3A_692 = tpu.memref_slice %arg4[%arg0, %mul3A_386, %dma_start3A_691] : memref<2x10000x128xf32, #tpu.memory_space<hbm>> -> memref<1x632x128xf32, #tpu.memory_space<hbm>>
        %dma_start3A_693 = tpu.memref_squeeze %dma_start3A_692 : memref<1x632x128xf32, #tpu.memory_space<hbm>> -> memref<632x128xf32, #tpu.memory_space<hbm>>
        %dma_start3A_694 = arith.constant 0 : i32
        %dma_start3A_695 = tpu.memref_slice %arg8[%mul3A_386, %dma_start3A_694] : memref<10000x128xf32, #tpu.memory_space<vmem_shared>> -> memref<632x128xf32, #tpu.memory_space<vmem_shared>>
        tpu.enqueue_dma source(%dma_start3A_695 : memref<632x128xf32, #tpu.memory_space<vmem_shared>>) target(%dma_start3A_693 : memref<632x128xf32, #tpu.memory_space<hbm>>) target_semaphore(%run_scoped3A : memref<!tpu.dma_semaphore, #tpu.memory_space<semaphore_mem>>)
        %dma_wait3A_696 = arith.constant 0 : i32
        %dma_wait3A_697 = tpu.memref_slice %arg4[%arg0, %mul3A_386, %dma_wait3A_696] : memref<2x10000x128xf32, #tpu.memory_space<hbm>> -> memref<1x632x128xf32, #tpu.memory_space<hbm>>
        %dma_wait3A_698 = tpu.memref_squeeze %dma_wait3A_697 : memref<1x632x128xf32, #tpu.memory_space<hbm>> -> memref<632x128xf32, #tpu.memory_space<hbm>>
        %dma_wait3A_699 = arith.constant 0 : i32
        %dma_wait3A_700 = tpu.memref_slice %arg8[%mul3A_386, %dma_wait3A_699] : memref<10000x128xf32, #tpu.memory_space<vmem_shared>> -> memref<632x128xf32, #tpu.memory_space<vmem_shared>>
        tpu.wait_dma2 semaphore(%run_scoped3A : memref<!tpu.dma_semaphore, #tpu.memory_space<semaphore_mem>>) src(%dma_wait3A_700 : memref<632x128xf32, #tpu.memory_space<vmem_shared>>) dst(%dma_wait3A_698 : memref<632x128xf32, #tpu.memory_space<hbm>>)
        tpu.yield
      }) : () -> ()
    } else {
    }
    %eq3A_686 = arith.constant 15 : i32
    %eq3A_687 = arith.cmpi eq, %arg1, %eq3A_686 : i32
    %convert_element_type3A_688 = arith.extui %eq3A_687 : i1 to i32
    %cond3A_689 = arith.constant 0 : i32
    %cond3A_690 = arith.cmpi ne, %convert_element_type3A_688, %cond3A_689 : i32
    scf.if %cond3A_690 {
      "tpu.region"() ({
        %run_scoped3A = tpu.sem_alloc : memref<!tpu.dma_semaphore, #tpu.memory_space<semaphore_mem>>
        %dma_start3A_691 = arith.constant 0 : i32
        %dma_start3A_692 = tpu.memref_slice %arg4[%arg0, %mul3A_386, %dma_start3A_691] : memref<2x10000x128xf32, #tpu.memory_space<hbm>> -> memref<1x520x128xf32, #tpu.memory_space<hbm>>
        %dma_start3A_693 = tpu.memref_squeeze %dma_start3A_692 : memref<1x520x128xf32, #tpu.memory_space<hbm>> -> memref<520x128xf32, #tpu.memory_space<hbm>>
        %dma_start3A_694 = arith.constant 0 : i32
        %dma_start3A_695 = tpu.memref_slice %arg8[%mul3A_386, %dma_start3A_694] : memref<10000x128xf32, #tpu.memory_space<vmem_shared>> -> memref<520x128xf32, #tpu.memory_space<vmem_shared>>
        tpu.enqueue_dma source(%dma_start3A_695 : memref<520x128xf32, #tpu.memory_space<vmem_shared>>) target(%dma_start3A_693 : memref<520x128xf32, #tpu.memory_space<hbm>>) target_semaphore(%run_scoped3A : memref<!tpu.dma_semaphore, #tpu.memory_space<semaphore_mem>>)
        %dma_wait3A_696 = arith.constant 0 : i32
        %dma_wait3A_697 = tpu.memref_slice %arg4[%arg0, %mul3A_386, %dma_wait3A_696] : memref<2x10000x128xf32, #tpu.memory_space<hbm>> -> memref<1x520x128xf32, #tpu.memory_space<hbm>>
        %dma_wait3A_698 = tpu.memref_squeeze %dma_wait3A_697 : memref<1x520x128xf32, #tpu.memory_space<hbm>> -> memref<520x128xf32, #tpu.memory_space<hbm>>
        %dma_wait3A_699 = arith.constant 0 : i32
        %dma_wait3A_700 = tpu.memref_slice %arg8[%mul3A_386, %dma_wait3A_699] : memref<10000x128xf32, #tpu.memory_space<vmem_shared>> -> memref<520x128xf32, #tpu.memory_space<vmem_shared>>
        tpu.wait_dma2 semaphore(%run_scoped3A : memref<!tpu.dma_semaphore, #tpu.memory_space<semaphore_mem>>) src(%dma_wait3A_700 : memref<520x128xf32, #tpu.memory_space<vmem_shared>>) dst(%dma_wait3A_698 : memref<520x128xf32, #tpu.memory_space<hbm>>)
        tpu.yield
      }) : () -> ()
    } else {
    }
    return
  }
}

module attributes {stable_mosaic.version = 14 : i64} {
  func.func @_tc_hist_body(%arg0: i32, %arg1: memref<12800x1xi32, #tpu.memory_space<vmem>>, %arg2: memref<80x128xf32, #tpu.memory_space<vmem>>) attributes {dimension_semantics = [#tpu.dimension_semantics<arbitrary>], iteration_bounds = array<i64: 25>, scalar_prefetch = 0 : i64, scratch_operands = 0 : i64, tpu.core_type = #tpu.core_type<tc>, window_params = [{transform_indices = @transform_0, window_bounds = array<i64: 12800, 1>}, {pipeline_mode = #tpu.pipeline_mode<synchronous>, transform_indices = @transform_1, window_bounds = array<i64: 80, 128>}]} {
    %eq3A = arith.constant 0 : i32
    %eq3A_0 = arith.cmpi eq, %arg0, %eq3A : i32
    %convert_element_type3A = arith.extui %eq3A_0 : i1 to i32
    %cond3A = arith.constant 0 : i32
    %cond3A_1 = arith.cmpi ne, %convert_element_type3A, %cond3A : i32
    scf.if %cond3A_1 {
      %broadcast_in_dim3A = arith.constant 0.000000e+00 : f32
      %broadcast_in_dim3A_27 = vector.broadcast %broadcast_in_dim3A : f32 to vector<80x128xf32>
      %swap3A_28 = arith.constant 0 : index
      %swap3A_29 = arith.constant 0 : index
      %swap3A_30 = vector.load %arg2[%swap3A_28, %swap3A_29] : memref<80x128xf32, #tpu.memory_space<vmem>>, vector<80x128xf32>
      tpu.vector_store %arg2[%swap3A_28, %swap3A_29], %broadcast_in_dim3A_27 {strides = array<i32>} : memref<80x128xf32, #tpu.memory_space<vmem>>, vector<80x128xf32>,
    } else {
    }
    %get3A = arith.constant 0 : index
    %get3A_2 = arith.constant 0 : index
    %get3A_3 = vector.load %arg1[%get3A, %get3A_2] : memref<12800x1xi32, #tpu.memory_space<vmem>>, vector<12800x1xi32>
    %shift_right_arithmetic3A = arith.constant 7 : i32
    %shift_right_arithmetic3A_4 = vector.broadcast %shift_right_arithmetic3A : i32 to vector<12800x1xi32>
    %shift_right_arithmetic3A_5 = arith.shrsi %get3A_3, %shift_right_arithmetic3A_4 : vector<12800x1xi32>
    %and3A = arith.constant 127 : i32
    %and3A_6 = vector.broadcast %and3A : i32 to vector<12800x1xi32>
    %and3A_7 = arith.andi %get3A_3, %and3A_6 : vector<12800x1xi32>
    %iota3A = tpu.iota {dimensions = array<i32: 1>} : vector<1x80xi32>
    %eq3A_8 = vector.broadcast %shift_right_arithmetic3A_5 : vector<12800x1xi32> to vector<12800x80xi32>
    %eq3A_9 = vector.broadcast %iota3A : vector<1x80xi32> to vector<12800x80xi32>
    %eq3A_10 = arith.cmpi eq, %eq3A_8, %eq3A_9 : vector<12800x80xi32>
    %convert_element_type3A_11 = arith.extui %eq3A_10 : vector<12800x80xi1> to vector<12800x80xi32>
    %convert_element_type3A_12 = arith.sitofp %convert_element_type3A_11 : vector<12800x80xi32> to vector<12800x80xf32>
    %convert_element_type3A_13 = arith.truncf %convert_element_type3A_12 : vector<12800x80xf32> to vector<12800x80xbf16>
    %iota3A_14 = tpu.iota {dimensions = array<i32: 1>} : vector<1x128xi32>
    %eq3A_15 = vector.broadcast %and3A_7 : vector<12800x1xi32> to vector<12800x128xi32>
    %eq3A_16 = vector.broadcast %iota3A_14 : vector<1x128xi32> to vector<12800x128xi32>
    %eq3A_17 = arith.cmpi eq, %eq3A_15, %eq3A_16 : vector<12800x128xi32>
    %convert_element_type3A_18 = arith.extui %eq3A_17 : vector<12800x128xi1> to vector<12800x128xi32>
    %convert_element_type3A_19 = arith.sitofp %convert_element_type3A_18 : vector<12800x128xi32> to vector<12800x128xf32>
    %convert_element_type3A_20 = arith.truncf %convert_element_type3A_19 : vector<12800x128xf32> to vector<12800x128xbf16>
    %get3A_21 = arith.constant 0 : index
    %get3A_22 = arith.constant 0 : index
    %get3A_23 = vector.load %arg2[%get3A_21, %get3A_22] : memref<80x128xf32, #tpu.memory_space<vmem>>, vector<80x128xf32>
    %dot_general3A = arith.constant dense<0.000000e+00> : vector<80x128xf32>
    %dot_general3A_24 = tpu.matmul %convert_element_type3A_13, %convert_element_type3A_20, %dot_general3A {dimension_numbers = #tpu.dot_dimension_numbers<[0], [0], [1], [1], [0, 1, 1, 1], [], []>, transpose_lhs_hint = false} : vector<12800x80xbf16>, vector<12800x128xbf16>, vector<80x128xf32> -> vector<80x128xf32>
    %add3A = arith.addf %get3A_23, %dot_general3A_24 : vector<80x128xf32>
    %swap3A = arith.constant 0 : index
    %swap3A_25 = arith.constant 0 : index
    %swap3A_26 = vector.load %arg2[%swap3A, %swap3A_25] : memref<80x128xf32, #tpu.memory_space<vmem>>, vector<80x128xf32>
    tpu.vector_store %arg2[%swap3A, %swap3A_25], %add3A {strides = array<i32>} : memref<80x128xf32, #tpu.memory_space<vmem>>, vector<80x128xf32>,
    return
  }
  func.func @transform_0(%arg0: i32) -> (i32, i32) {
    %c0_i32 = arith.constant 0 : i32
    %c0_i32_0 = arith.constant 0 : i32
    return %arg0, %c0_i32 : i32, i32
  }
  func.func @transform_1(%arg0: i32) -> (i32, i32) {
    %c0_i32 = arith.constant 0 : i32
    %c0_i32_0 = arith.constant 0 : i32
    %c0_i32_1 = arith.constant 0 : i32
    return %c0_i32, %c0_i32_0 : i32, i32
  }
}

module attributes {stable_mosaic.version = 14 : i64} {
  func.func @_tc_gates_body(%arg0: i32, %arg1: memref<1000x128xf32, #tpu.memory_space<vmem>>, %arg2: memref<2x1000x128xf32, #tpu.memory_space<vmem>>, %arg3: memref<1000x1xf32, #tpu.memory_space<vmem>>, %arg4: memref<256x384xf32, #tpu.memory_space<vmem>>, %arg5: memref<1x384xf32, #tpu.memory_space<vmem>>, %arg6: memref<8x128xf32, #tpu.memory_space<vmem>>, %arg7: memref<1000x128xf32, #tpu.memory_space<vmem>>, %arg8: memref<1000x128xf32, #tpu.memory_space<vmem>>) attributes {dimension_semantics = [#tpu.dimension_semantics<arbitrary>], iteration_bounds = array<i64: 10>, scalar_prefetch = 0 : i64, scratch_operands = 0 : i64, tpu.core_type = #tpu.core_type<tc>, window_params = [{transform_indices = @transform_0, window_bounds = array<i64: 1000, 128>}, {transform_indices = @transform_1, window_bounds = array<i64: 2, 1000, 128>}, {transform_indices = @transform_2, window_bounds = array<i64: 1000, 1>}, {pipeline_mode = #tpu.pipeline_mode<synchronous>, transform_indices = @transform_3, window_bounds = array<i64: 256, 384>}, {pipeline_mode = #tpu.pipeline_mode<synchronous>, transform_indices = @transform_4, window_bounds = array<i64: 1, 384>}, {pipeline_mode = #tpu.pipeline_mode<synchronous>, transform_indices = @transform_5, window_bounds = array<i64: 8, 128>}, {transform_indices = @transform_6, window_bounds = array<i64: 1000, 128>}, {transform_indices = @transform_7, window_bounds = array<i64: 1000, 128>}]} {
    %get3A = arith.constant 0 : index
    %get3A_0 = arith.constant 0 : index
    %get3A_1 = vector.load %arg1[%get3A, %get3A_0] : memref<1000x128xf32, #tpu.memory_space<vmem>>, vector<1000x128xf32>
    %get3A_2 = arith.constant 0 : index
    %get3A_3 = arith.constant 0 : index
    %get3A_4 = arith.constant 0 : index
    %get3A_5 = vector.load %arg2[%get3A_2, %get3A_3, %get3A_4] : memref<2x1000x128xf32, #tpu.memory_space<vmem>>, vector<1x1000x128xf32>
    %get3A_6 = vector.shape_cast %get3A_5 : vector<1x1000x128xf32> to vector<1000x128xf32>
    %get3A_7 = arith.constant 1 : index
    %get3A_8 = arith.constant 0 : index
    %get3A_9 = arith.constant 0 : index
    %get3A_10 = vector.load %arg2[%get3A_7, %get3A_8, %get3A_9] : memref<2x1000x128xf32, #tpu.memory_space<vmem>>, vector<1x1000x128xf32>
    %get3A_11 = vector.shape_cast %get3A_10 : vector<1x1000x128xf32> to vector<1000x128xf32>
    %add3A = arith.addf %get3A_6, %get3A_11 : vector<1000x128xf32>
    %get3A_12 = arith.constant 0 : index
    %get3A_13 = arith.constant 0 : index
    %get3A_14 = vector.load %arg3[%get3A_12, %get3A_13] : memref<1000x1xf32, #tpu.memory_space<vmem>>, vector<1000x1xf32>
    %max3A = arith.constant 1.000000e+00 : f32
    %max3A_15 = vector.broadcast %max3A : f32 to vector<1000x1xf32>
    %max3A_16 = arith.maximumf %get3A_14, %max3A_15 : vector<1000x1xf32>
    %div3A = vector.broadcast %max3A_16 : vector<1000x1xf32> to vector<1000x128xf32>
    %div3A_17 = arith.divf %add3A, %div3A : vector<1000x128xf32>
    %concatenate3A = tpu.concatenate %div3A_17, %get3A_1 in 1 : vector<1000x128xf32>, vector<1000x128xf32> -> vector<1000x256xf32>
    %get3A_18 = arith.constant 0 : index
    %get3A_19 = arith.constant 0 : index
    %get3A_20 = vector.load %arg4[%get3A_18, %get3A_19] : memref<256x384xf32, #tpu.memory_space<vmem>>, vector<256x384xf32>
    %dot_general3A = arith.constant dense<0.000000e+00> : vector<1000x384xf32>
    %dot_general3A_21 = tpu.matmul %concatenate3A, %get3A_20, %dot_general3A {dimension_numbers = #tpu.dot_dimension_numbers<[1], [0], [0], [1], [0, 0, 1, 1], [], []>, transpose_lhs_hint = false} : vector<1000x256xf32>, vector<256x384xf32>, vector<1000x384xf32> -> vector<1000x384xf32>
    %get3A_22 = arith.constant 0 : index
    %get3A_23 = arith.constant 0 : index
    %get3A_24 = vector.load %arg5[%get3A_22, %get3A_23] : memref<1x384xf32, #tpu.memory_space<vmem>>, vector<1x384xf32>
    %add3A_25 = vector.broadcast %get3A_24 : vector<1x384xf32> to vector<1000x384xf32>
    %add3A_26 = arith.addf %dot_general3A_21, %add3A_25 : vector<1000x384xf32>
    %slice3A = vector.extract_strided_slice %add3A_26 {offsets = [0, 0], sizes = [1000, 128], strides = [1, 1]} : vector<1000x384xf32> to vector<1000x128xf32>
    %mul3A = arith.mulf %slice3A, %slice3A : vector<1000x128xf32>
    %reduce_sum3A = arith.constant dense<0.000000e+00> : vector<1000xf32>
    %reduce_sum3A_27 = vector.multi_reduction <add>, %mul3A, %reduce_sum3A [1] : vector<1000x128xf32> to vector<1000xf32>
    %broadcast_in_dim3A = vector.shape_cast %reduce_sum3A_27 : vector<1000xf32> to vector<1000x1xf32>
    %sqrt3A = math.sqrt %broadcast_in_dim3A : vector<1000x1xf32>
    %max3A_28 = arith.constant 9.99999996E-13 : f32
    %max3A_29 = vector.broadcast %max3A_28 : f32 to vector<1000x1xf32>
    %max3A_30 = arith.maximumf %sqrt3A, %max3A_29 : vector<1000x1xf32>
    %div3A_31 = vector.broadcast %max3A_30 : vector<1000x1xf32> to vector<1000x128xf32>
    %div3A_32 = arith.divf %slice3A, %div3A_31 : vector<1000x128xf32>
    %slice3A_33 = vector.extract_strided_slice %add3A_26 {offsets = [0, 128], sizes = [1000, 128], strides = [1, 1]} : vector<1000x384xf32> to vector<1000x128xf32>
    %mul3A_34 = arith.mulf %slice3A_33, %slice3A_33 : vector<1000x128xf32>
    %reduce_sum3A_35 = arith.constant dense<0.000000e+00> : vector<1000xf32>
    %reduce_sum3A_36 = vector.multi_reduction <add>, %mul3A_34, %reduce_sum3A_35 [1] : vector<1000x128xf32> to vector<1000xf32>
    %broadcast_in_dim3A_37 = vector.shape_cast %reduce_sum3A_36 : vector<1000xf32> to vector<1000x1xf32>
    %sqrt3A_38 = math.sqrt %broadcast_in_dim3A_37 : vector<1000x1xf32>
    %max3A_39 = arith.constant 9.99999996E-13 : f32
    %max3A_40 = vector.broadcast %max3A_39 : f32 to vector<1000x1xf32>
    %max3A_41 = arith.maximumf %sqrt3A_38, %max3A_40 : vector<1000x1xf32>
    %div3A_42 = vector.broadcast %max3A_41 : vector<1000x1xf32> to vector<1000x128xf32>
    %div3A_43 = arith.divf %slice3A_33, %div3A_42 : vector<1000x128xf32>
    %slice3A_44 = vector.extract_strided_slice %add3A_26 {offsets = [0, 256], sizes = [1000, 128], strides = [1, 1]} : vector<1000x384xf32> to vector<1000x128xf32>
    %mul3A_45 = arith.mulf %slice3A_44, %slice3A_44 : vector<1000x128xf32>
    %reduce_sum3A_46 = arith.constant dense<0.000000e+00> : vector<1000xf32>
    %reduce_sum3A_47 = vector.multi_reduction <add>, %mul3A_45, %reduce_sum3A_46 [1] : vector<1000x128xf32> to vector<1000xf32>
    %broadcast_in_dim3A_48 = vector.shape_cast %reduce_sum3A_47 : vector<1000xf32> to vector<1000x1xf32>
    %sqrt3A_49 = math.sqrt %broadcast_in_dim3A_48 : vector<1000x1xf32>
    %max3A_50 = arith.constant 9.99999996E-13 : f32
    %max3A_51 = vector.broadcast %max3A_50 : f32 to vector<1000x1xf32>
    %max3A_52 = arith.maximumf %sqrt3A_49, %max3A_51 : vector<1000x1xf32>
    %div3A_53 = vector.broadcast %max3A_52 : vector<1000x1xf32> to vector<1000x128xf32>
    %div3A_54 = arith.divf %slice3A_44, %div3A_53 : vector<1000x128xf32>
    %get3A_55 = arith.constant 0 : index
    %get3A_56 = arith.constant 0 : index
    %get3A_57 = vector.load %arg6[%get3A_55, %get3A_56] : memref<8x128xf32, #tpu.memory_space<vmem>>, vector<8x128xf32>
    %slice3A_58 = vector.extract_strided_slice %get3A_57 {offsets = [0, 0], sizes = [3, 128], strides = [1, 1]} : vector<8x128xf32> to vector<3x128xf32>
    %mul3A_59 = arith.mulf %slice3A_58, %slice3A_58 : vector<3x128xf32>
    %reduce_sum3A_60 = arith.constant dense<0.000000e+00> : vector<3xf32>
    %reduce_sum3A_61 = vector.multi_reduction <add>, %mul3A_59, %reduce_sum3A_60 [1] : vector<3x128xf32> to vector<3xf32>
    %broadcast_in_dim3A_62 = vector.shape_cast %reduce_sum3A_61 : vector<3xf32> to vector<3x1xf32>
    %sqrt3A_63 = math.sqrt %broadcast_in_dim3A_62 : vector<3x1xf32>
    %max3A_64 = arith.constant 9.99999996E-13 : f32
    %max3A_65 = vector.broadcast %max3A_64 : f32 to vector<3x1xf32>
    %max3A_66 = arith.maximumf %sqrt3A_63, %max3A_65 : vector<3x1xf32>
    %div3A_67 = vector.broadcast %max3A_66 : vector<3x1xf32> to vector<3x128xf32>
    %div3A_68 = arith.divf %slice3A_58, %div3A_67 : vector<3x128xf32>
    %slice3A_69 = vector.extract_strided_slice %div3A_68 {offsets = [0, 0], sizes = [1, 128], strides = [1, 1]} : vector<3x128xf32> to vector<1x128xf32>
    %add3A_70 = vector.broadcast %slice3A_69 : vector<1x128xf32> to vector<1000x128xf32>
    %add3A_71 = arith.addf %div3A_32, %add3A_70 : vector<1000x128xf32>
    %slice3A_72 = vector.extract_strided_slice %get3A_57 {offsets = [3, 0], sizes = [1, 128], strides = [1, 1]} : vector<8x128xf32> to vector<1x128xf32>
    %add3A_73 = vector.broadcast %slice3A_72 : vector<1x128xf32> to vector<1000x128xf32>
    %add3A_74 = arith.addf %add3A_71, %add3A_73 : vector<1000x128xf32>
    %logistic3A = arith.negf %add3A_74 : vector<1000x128xf32>
    %logistic3A_75 = math.exp %logistic3A : vector<1000x128xf32>
    %logistic3A_76 = arith.constant 1.000000e+00 : f32
    %logistic3A_77 = vector.broadcast %logistic3A_76 : f32 to vector<1000x128xf32>
    %logistic3A_78 = arith.addf %logistic3A_77, %logistic3A_75 : vector<1000x128xf32>
    %logistic3A_79 = arith.divf %logistic3A_77, %logistic3A_78 : vector<1000x128xf32>
    %slice3A_80 = vector.extract_strided_slice %div3A_68 {offsets = [1, 0], sizes = [1, 128], strides = [1, 1]} : vector<3x128xf32> to vector<1x128xf32>
    %add3A_81 = vector.broadcast %slice3A_80 : vector<1x128xf32> to vector<1000x128xf32>
    %add3A_82 = arith.addf %div3A_43, %add3A_81 : vector<1000x128xf32>
    %slice3A_83 = vector.extract_strided_slice %get3A_57 {offsets = [4, 0], sizes = [1, 128], strides = [1, 1]} : vector<8x128xf32> to vector<1x128xf32>
    %add3A_84 = vector.broadcast %slice3A_83 : vector<1x128xf32> to vector<1000x128xf32>
    %add3A_85 = arith.addf %add3A_82, %add3A_84 : vector<1000x128xf32>
    %tanh3A = math.tanh %add3A_85 : vector<1000x128xf32>
    %mul3A_86 = arith.mulf %logistic3A_79, %tanh3A : vector<1000x128xf32>
    %slice3A_87 = vector.extract_strided_slice %div3A_68 {offsets = [2, 0], sizes = [1, 128], strides = [1, 1]} : vector<3x128xf32> to vector<1x128xf32>
    %add3A_88 = vector.broadcast %slice3A_87 : vector<1x128xf32> to vector<1000x128xf32>
    %add3A_89 = arith.addf %div3A_54, %add3A_88 : vector<1000x128xf32>
    %slice3A_90 = vector.extract_strided_slice %get3A_57 {offsets = [6, 0], sizes = [1, 128], strides = [1, 1]} : vector<8x128xf32> to vector<1x128xf32>
    %mul3A_91 = vector.broadcast %slice3A_90 : vector<1x128xf32> to vector<1000x128xf32>
    %mul3A_92 = arith.mulf %mul3A_91, %mul3A_86 : vector<1000x128xf32>
    %add3A_93 = arith.addf %add3A_89, %mul3A_92 : vector<1000x128xf32>
    %slice3A_94 = vector.extract_strided_slice %get3A_57 {offsets = [5, 0], sizes = [1, 128], strides = [1, 1]} : vector<8x128xf32> to vector<1x128xf32>
    %add3A_95 = vector.broadcast %slice3A_94 : vector<1x128xf32> to vector<1000x128xf32>
    %add3A_96 = arith.addf %add3A_93, %add3A_95 : vector<1000x128xf32>
    %logistic3A_97 = arith.negf %add3A_96 : vector<1000x128xf32>
    %logistic3A_98 = math.exp %logistic3A_97 : vector<1000x128xf32>
    %logistic3A_99 = arith.constant 1.000000e+00 : f32
    %logistic3A_100 = vector.broadcast %logistic3A_99 : f32 to vector<1000x128xf32>
    %logistic3A_101 = arith.addf %logistic3A_100, %logistic3A_98 : vector<1000x128xf32>
    %logistic3A_102 = arith.divf %logistic3A_100, %logistic3A_101 : vector<1000x128xf32>
    %tanh3A_103 = math.tanh %mul3A_86 : vector<1000x128xf32>
    %mul3A_104 = arith.mulf %logistic3A_102, %tanh3A_103 : vector<1000x128xf32>
    %swap3A = arith.constant 0 : index
    %swap3A_105 = arith.constant 0 : index
    %swap3A_106 = vector.load %arg7[%swap3A, %swap3A_105] : memref<1000x128xf32, #tpu.memory_space<vmem>>, vector<1000x128xf32>
    tpu.vector_store %arg7[%swap3A, %swap3A_105], %mul3A_104 {strides = array<i32>} : memref<1000x128xf32, #tpu.memory_space<vmem>>, vector<1000x128xf32>,
    %swap3A_107 = arith.constant 0 : index
    %swap3A_108 = arith.constant 0 : index
    %swap3A_109 = vector.load %arg8[%swap3A_107, %swap3A_108] : memref<1000x128xf32, #tpu.memory_space<vmem>>, vector<1000x128xf32>
    tpu.vector_store %arg8[%swap3A_107, %swap3A_108], %mul3A_86 {strides = array<i32>} : memref<1000x128xf32, #tpu.memory_space<vmem>>, vector<1000x128xf32>,
    return
  }
  func.func @transform_0(%arg0: i32) -> (i32, i32) {
    %c0_i32 = arith.constant 0 : i32
    %c0_i32_0 = arith.constant 0 : i32
    return %arg0, %c0_i32 : i32, i32
  }
  func.func @transform_1(%arg0: i32) -> (i32, i32, i32) {
    %c0_i32 = arith.constant 0 : i32
    %c0_i32_0 = arith.constant 0 : i32
    %c0_i32_1 = arith.constant 0 : i32
    return %c0_i32, %arg0, %c0_i32_0 : i32, i32, i32
  }
  func.func @transform_2(%arg0: i32) -> (i32, i32) {
    %c0_i32 = arith.constant 0 : i32
    %c0_i32_0 = arith.constant 0 : i32
    return %arg0, %c0_i32 : i32, i32
  }
  func.func @transform_3(%arg0: i32) -> (i32, i32) {
    %c0_i32 = arith.constant 0 : i32
    %c0_i32_0 = arith.constant 0 : i32
    %c0_i32_1 = arith.constant 0 : i32
    return %c0_i32, %c0_i32_0 : i32, i32
  }
  func.func @transform_4(%arg0: i32) -> (i32, i32) {
    %c0_i32 = arith.constant 0 : i32
    %c0_i32_0 = arith.constant 0 : i32
    %c0_i32_1 = arith.constant 0 : i32
    return %c0_i32, %c0_i32_0 : i32, i32
  }
  func.func @transform_5(%arg0: i32) -> (i32, i32) {
    %c0_i32 = arith.constant 0 : i32
    %c0_i32_0 = arith.constant 0 : i32
    %c0_i32_1 = arith.constant 0 : i32
    return %c0_i32, %c0_i32_0 : i32, i32
  }
  func.func @transform_6(%arg0: i32) -> (i32, i32) {
    %c0_i32 = arith.constant 0 : i32
    %c0_i32_0 = arith.constant 0 : i32
    return %arg0, %c0_i32 : i32, i32
  }
  func.func @transform_7(%arg0: i32) -> (i32, i32) {
    %c0_i32 = arith.constant 0 : i32
    %c0_i32_0 = arith.constant 0 : i32
    return %arg0, %c0_i32 : i32, i32
  }
}

</mosaic_0001>

<sc_bundles>
// kernel: kernel.5.cloned.1.call-start
scs
__scs_entry_jumppad:
0x0: {  	(pc) =	sbr.rel $0x88, $3  }
0x1: {  	(tag) =	ssettag $0x0;
	lr =	simm.s32 $0x1  }
0x2: {  	[smem:$0x3F99] =	sst lr;
	_ =	strace $0xD0000000  }
0x3: {  	_ = 	snop  }
0x4: {  	_ = 	snop  }
0x5: {  	_ = 	snop  }
0x6: {  	_ = 	snop  }
0x7: {  	_ = 	snop  }
__scs_overlays_trampoline_lowered:
0x8: {  	[smem:$0x3FA8] =	sst s0  }
0x9: {  	[smem:$0x3FA9] =	sst s1  }
0xa: {  	[smem:$0x3FAA] =	sst s2  }
0xb: {  	[smem:$0x3FAB] =	sst s3  }
0xc: {  	[smem:$0x3FAC] =	sst s4  }
0xd: {  	[smem:$0x3FAD] =	sst s5  }
0xe: {  	[smem:$0x3FAE] =	sst s6  }
0xf: {  	[smem:$0x3FAF] =	sst s7  }
0x10: {  	[smem:$0x3FB0] =	sst s8  }
0x11: {  	[smem:$0x3FB1] =	sst s9;
	s0 =	simm.s32 @!p0 $0x0  }
0x12: {  	s1 =	sld [smem:$0x3F97];
	s0 =	simm.s32 @p0 $0x1  }
0x13: {  	[smem:$0x3FB2] =	sst s0;
	s0 =	simm.s32 @!p1 $0x0  }
0x14: {  	s2 =	sld [smem:$0x3F96];
	s0 =	simm.s32 @p1 $0x1  }
0x15: {  	[smem:$0x3FB3] =	sst s0;
	s0 =	simm.s32 @!p2 $0x0  }
0x16: {  	s3 =	sld [smem:$0x3FDB];
	s0 =	simm.s32 @p2 $0x1  }
0x17: {  	s4 =	simm.s32 $0x1BF5;
	[smem:$0x3FB5] =	sst s0  }
0x18: {  	s0 =	sld [smem:$0x3F98];
	_ =	swait.ge [sflag:s4], $0x0  }
0x19: {  	s7 =	sld [smem:$0x3F99]  }
0x1a: {  	s8 =	sadd.s32 $0xFFFFE003, lr  }
0x1b: {  	s9 =	sadd.s32 $0xFFFFFEF7, lr;
	s5 =	simm.s32 $0xFFFFFFFF;
	p2 =	slt.u32 s8, $0xFFFFF086  }
0x1c: {  	p1 =	slt.u32 s9, $0xF7A;
	s5 =	simm.s32 @!p2 $0x0  }
0x1d: {  	s5 =	simm.s32 @p1 $0x1;
	p0 =	seq.s32 s7, s2  }
0x1e: {  	s7 =	smul.u32 @!p0 $0xF7A, s2;
	p2 =	seq.s32 @!p0 s5, $0x0  }
0x1f: {  	s9 =	smul.u32 $0xF7A, s1;
	s8 =	simm.s32 @!p0 $0x1BF5;
	p2 =	por !p2, p0  }
0x20: {  	[sflag:s8] =	ssyncset.s32 @!p0 $0xFFFFF086;
	s6 =	sadd.s32 @!p0 s3, s7;
	s7 =	simm.s32 @!p0 $0x108  }
0x21: {  	s3 =	sadd.s32 s3, s9;
	s6 =	sadd.s32 @!p0 $0x88, s6;
	s7 =	simm.s32 @p2 $0x1082  }
0x22: {  	[simem:s7], [sflag:s8] =	dma.local @!p0 [hbm:s6], $0xF7A  }
0x23: {  	s9 =	sor.u32 $0xD0000000, s2;
	s6 =	simm.s32 $0x108;
	_ =	swait.ge @!p0 [sflag:s8], $0x0  }
0x24: {  	s3 =	sadd.s32 $0x88, s3;
	s6 =	simm.s32 @!p1 $0x1082;
	[sflag:s4] =	ssyncset.s32 $0xFFFFF086  }
0x25: {  	[simem:s6], [sflag:s4] =	dma.local [hbm:s3], $0xF7A  }
0x26: {  	[smem:$0x3F99] =	sst s1;
	(tag) =	ssettag s2;
	_ =	strace s9  }
0x27: {  	s1 =	sld [smem:$0x3FA9]  }
0x28: {  	s2 =	sld [smem:$0x3FAA]  }
0x29: {  	s4 =	sld [smem:$0x3FAC]  }
0x2a: {  	p0 =	seq.s32 s5, $0x0;
	s5 =	sld [smem:$0x3FAD]  }
0x2b: {  	s6 =	sld [smem:$0x3FAE]  }
0x2c: {  	s7 =	sld [smem:$0x3FAF]  }
0x2d: {  	s3 =	simm.s32 $0x108;
	s8 =	sld [smem:$0x3FB0]  }
0x2e: {  	s3 =	simm.s32 @!p0 $0x1082;
	s9 =	sld [smem:$0x3FB1]  }
0x2f: {  	lr =	sadd.s32 s0, s3;
	s0 =	sld [smem:$0x3FA8]  }
0x30: {  	s3 =	sld [smem:$0x3FAB]  }
0x31: {  	[smem:$0x3FB4] =	sst s10  }
0x32: {  	s10 =	sld [smem:$0x3FB2];
	_ =	sdelay $0x3  }
0x33: {  	p0 =	seq.s32 s10, $0x1;
	s10 =	sld [smem:$0x3FB4];
	_ =	sdelay $0x3  }
0x34: {  	[smem:$0x3FB4] =	sst s10  }
0x35: {  	s10 =	sld [smem:$0x3FB3];
	_ =	sdelay $0x3  }
0x36: {  	p1 =	seq.s32 s10, $0x1;
	s10 =	sld [smem:$0x3FB4];
	_ =	sdelay $0x3  }
0x37: {  	[smem:$0x3FB4] =	sst s10  }
0x38: {  	s10 =	sld [smem:$0x3FB5]  }
0x39: {  	_ = 	snop;
	(pc) =	sbr.ind lr, $3  }
0x3a: {  	_ = 	snop  }
0x3b: {  	_ = 	snop  }
0x3c: {  	p2 =	seq.s32 s10, $0x1;
	s10 =	sld [smem:$0x3FB4]  }
0x3d: {  	_ =	shalt  }
0x3e: {  	_ =	shalt  }
0x3f: {  	_ =	shalt  }
0x40: {  	_ =	shalt  }
0x41: {  	_ =	shalt  }
0x42: {  	_ =	shalt  }
0x43: {  	_ =	shalt  }
0x44: {  	_ =	shalt  }
0x45: {  	_ =	shalt  }
0x46: {  	_ =	shalt  }
0x47: {  	_ =	shalt  }
0x48: {  	_ =	shalt  }
0x49: {  	_ =	shalt  }
0x4a: {  	_ =	shalt  }
0x4b: {  	_ =	shalt  }
0x4c: {  	_ =	shalt  }
0x4d: {  	_ =	shalt  }
0x4e: {  	_ =	shalt  }
0x4f: {  	_ =	shalt  }
0x50: {  	_ =	shalt  }
0x51: {  	_ =	shalt  }
0x52: {  	_ =	shalt  }
0x53: {  	_ =	shalt  }
0x54: {  	_ =	shalt  }
0x55: {  	_ =	shalt  }
0x56: {  	_ =	shalt  }
0x57: {  	_ =	shalt  }
0x58: {  	_ =	shalt  }
0x59: {  	_ =	shalt  }
0x5a: {  	_ =	shalt  }
0x5b: {  	_ =	shalt  }
0x5c: {  	_ =	shalt  }
0x5d: {  	_ =	shalt  }
0x5e: {  	_ =	shalt  }
0x5f: {  	_ =	shalt  }
0x60: {  	_ =	shalt  }
0x61: {  	_ =	shalt  }
0x62: {  	_ =	shalt  }
0x63: {  	_ =	shalt  }
0x64: {  	_ =	shalt  }
0x65: {  	_ =	shalt  }
0x66: {  	_ =	shalt  }
0x67: {  	_ =	shalt  }
0x68: {  	_ =	shalt  }
0x69: {  	_ =	shalt  }
0x6a: {  	_ =	shalt  }
0x6b: {  	_ =	shalt  }
0x6c: {  	_ =	shalt  }
0x6d: {  	_ =	shalt  }
0x6e: {  	_ =	shalt  }
0x6f: {  	_ =	shalt  }
0x70: {  	_ =	shalt  }
0x71: {  	_ =	shalt  }
0x72: {  	_ =	shalt  }
0x73: {  	_ =	shalt  }
0x74: {  	_ =	shalt  }
0x75: {  	_ =	shalt  }
0x76: {  	_ =	shalt  }
0x77: {  	_ =	shalt  }
0x78: {  	_ =	shalt  }
0x79: {  	_ =	shalt  }
0x7a: {  	_ =	shalt  }
0x7b: {  	_ =	shalt  }
0x7c: {  	_ =	shalt  }
0x7d: {  	_ =	shalt  }
0x7e: {  	_ =	shalt  }
0x7f: {  	_ =	shalt  }
0x80: {  	_ =	shalt  }
0x81: {  	_ =	shalt  }
0x82: {  	_ =	shalt  }
0x83: {  	_ =	shalt  }
0x84: {  	_ =	shalt  }
0x85: {  	_ =	shalt  }
0x86: {  	_ =	shalt  }
0x87: {  	_ =	shalt  }
.Lfunc_end0:
.L_simem_size_0:
called_computation_lowered:
.L_overlay_start_0:
0x88: {  	s2 =	sld [smem:$0x3FD9]  }
0x89: {  	s3 =	sld [smem:$0x3FFE];
	_ =	sdelay $0x1  }
0x8a: {  	s1 =	srdreg.scid  }
0x8b: {  	s0 =	sand.u32 $0x1, s1  }
0x8c: {  	s14 =	sshll.u32 s0, $0xA;
	s2 =	sadd.s32 s3, s2  }
0x8d: {  	s2 =	sadd.s32 s2, s14  }
0x8e: {  	[smem:$0x3FC0] =	sst s2  }
0x8f: {  	_ = 	snop  }
0x90: {  	s2 =	sld [smem:$0x3FD0];
	_ =	sdelay $0x2  }
0x91: {  	s4 =	simm.s32 $0xA;
	s5 =	simm.s32 $0x10;
	s15 =	sld [smem:$0x3FC9]  }
0x92: {  	[smem:s5], [sflag:s4] =	dma.local [hbm:s2], $0x1  }
0x93: {  	_ =	swait.eq [sflag:s4], $0x1  }
0x94: {  	[sflag:s4] =	ssyncset.done $0x0  }
0x95: {  	[sflag:s4] =	ssyncadd.s32 $0xFFFFFFFF  }
0x96: {  	s16 =	sld [smem:$0x11];
	(tm) =	ssettm $0x1  }
0x97: {  	s17 =	sld [smem:$0x3FFB];
	_ =	sdelay $0x3  }
0x98: {  	_ =	strace s17  }
0x99: {  	s4 =	sld [smem:$0x3FFC];
	_ =	sdelay $0x3  }
0x9a: {  	_ =	strace s4  }
0x9b: {  	s4 =	sld [smem:$0x3FFD];
	_ =	sdelay $0x3  }
0x9c: {  	_ =	strace s4  }
0x9d: {  	_ =	strace $0x8FFFFFFF  }
0x9e: {  	s18 =	sld [smem:$0x3FDB];
	_ =	sdelay $0x1  }
0x9f: {  	s19 =	simm.s32 $_scs_section_size  }
0xa0: {  	s6 =	simm.s32 $_size__tile_overlayer_lowered;
	s7 =	simm.s32 $_tile_overlayer_lowered  }
0xa1: {  	s22 =	simm.s32 $0x1BFF;
	s21 =	sshll.u32 s7, $0x1;
	s4 =	sadd.s32 s19, s18  }
0xa2: {  	s8 =	simm.s32 $0x0;
	s20 =	sshll.u32 s6, $0x1;
	s6 =	sadd.s32 s21, s4  }
0xa3: {  	[timem:s8], [sflag:s22] =	dma.local [hbm:s6], s20  }
0xa4: {  	_ =	swait.ge [sflag:s22], s20  }
0xa5: {  	s5 =	ssub.s32 $0x0, s20;
	[sflag:s22] =	ssyncset.done $0x0  }
0xa6: {  	[sflag:s22] =	ssyncadd.s32 s5;
	_ =	sdelay $0x1  }
0xa7: {  	s23 =	simm.s32 $0x1B8B  }
0xa8: {  	_ =	swait.ge [sflag:s23], $0x1  }
0xa9: {  	[sflag:s23] =	ssyncset.done $0x0  }
0xaa: {  	s25 =	simm.s32 $0x1B8E;
	s24 =	sld [smem:$0x3FFE];
	[sflag:s23] =	ssyncadd.s32 $0xFFFFFFFF  }
0xab: {  	s26 =	simm.s32 $execute0_lowered;
	[smem:$0x3FD2] =	sst s25  }
0xac: {  	s6 =	sshll.u32 s26, $0x1;
	_ =	strace $0x80000046;
	[dreg:$0x1] =	wrdreg $0xFFFFFFFF  }
0xad: {  	s28 =	simm.s32 $_size_execute0_lowered;
	s4 =	sadd.s32 s4, s6;
	[dreg:$0x0] =	wrdreg $0x0  }
0xae: {  	s6 =	sshll.u32 s28, $0x1;
	[dreg:$0x2] =	wrdreg s4  }
0xaf: {  	[dreg:$0x3] =	wrdreg s6  }
0xb0: {  	[dreg:$0x4] =	wrdreg $0xC0  }
0xb1: {  	_ =	task [dreg:s8], $0x5FFFF  }
0xb2: {  	[dreg:$0x1] =	wrdreg $0xFFFFFFFF  }
0xb3: {  	[dreg:$0x0] =	wrdreg $0x60  }
0xb4: {  	[dreg:$0x2] =	wrdreg s16  }
0xb5: {  	[dreg:$0x3] =	wrdreg s15  }
0xb6: {  	[dreg:$0x4] =	wrdreg s24  }
0xb7: {  	[dreg:$0x5] =	wrdreg $0x56000  }
0xb8: {  	[dreg:$0x6] =	wrdreg $0x9  }
0xb9: {  	_ =	task.clear_ibuf [dreg:s8], $0x7FFFF;
	_ =	strace $0x90000046  }
0xba: {  	s29 =	simm.s32 $0x9;
	_ =	strace $0x80000048  }
0xbb: {  	_ =	swait.ge [sflag:s29], $0x1  }
0xbc: {  	[sflag:s29] =	ssyncadd.s32 $0xFFFFFFFF  }
0xbd: {  	_ =	strace $0x90000048  }
0xbe: {  	_ =	sfence  }
0xbf: {  	s30 =	sld [smem:$0x0];
	_ =	sdelay $0x2  }
0xc0: {  	s31 =	sshll.u32 s1, $0xD;
	s1 =	sshrl.u32 s1, $0x2  }
0xc1: {  	s3 =	sand.u32 $0x4000, s31;
	s1 =	sadd.s32 s1, s30  }
0xc2: {  	s0 =	sor.u32 s3, s0;
	s1 =	sshll.u32 s1, $0x11  }
0xc3: {  	s0 =	sor.u32 s1, s0  }
0xc4: {  	s0 =	sadd.s32 $0x8F2B, s0  }
0xc5: {  	[sflag:s0] =	ssyncadd.remote.s32 $0x1  }
0xc6: {  	_ =	sfence.sel $0xFFFF  }
0xc7: {  	[dreg:$0x0] =	wrdreg $0xFFFFFFFF;
	(pc) =	sbr.abs _section_cstart, $3  }
0xc8: {  	[dreg:$0x1] =	wrdreg $0xFFFFFFFF  }
0xc9: {  	_ =	task.clear_ibuf [dreg:s8], $0x2FFFF;
	_ =	strace $0x9FFFFFFF  }
0xca: {  	(tm) =	ssettm $0x7FFFFFFF  }
0xcb: {  	_ =	shalt  }
tec
execute0_lowered:
.L_overlay_start_1:
0x0: {  	(tag) =	ssettag $0x1  }
0x1: {  	s1 =	rddreg [dreg:$0x0]  }
0x2: {  	s2 =	rddreg [dreg:$0x1]  }
0x3: {  	s6 =	rddreg [dreg:$0x2]  }
0x4: {  	s3 =	rddreg [dreg:$0x3];
	s4 =	simm.s32 $0x0;
	s5 =	srdreg.scid  }
0x5: {  	s0 =	stileid.u32;
	s17 =	simm.s32 $0x4;
	s18 =	simm.s32 $0x2  }
0x6: {  	s19 =	simm.s32 $0x50;
	s20 =	simm.s32 $0x200;
	s21 =	simm.s32 $0x1  }
0x7: {  	s22 =	simm.s32 $0x80;
	s23 =	simm.s32 $0x100;
	s24 =	simm.s32 $0x2A00  }
0x8: {  	s28 =	simm.s32 $0x3;
	s29 =	simm.s32 $0x0;
	[smem:$0x7FF] =	sst s4  }
0x9: {  	s8 =	sand.u32 $0x1, s5;
	s11 =	smul.u32 $0x4F000, s0;
	s12 =	sadd.s32 $0x2400, s6  }
0xa: {  	p0 =	seq.s32 s0, $0xF;
	s6 =	simm.s32 $0x41;
	s15 =	smul.u32 $0x13C00, s0  }
0xb: {  	s16 =	smul.u32 $0x7D00, s0;
	_ =	strace $0x80000047;
	s7 =	ssub.s32 $0x2, s8  }
0xc: {  	s9 =	sshll.u32 s8, $0x4;
	s14 =	smul.u32 $0x138800, s8;
	s6 =	simm.s32 @!p0 $0x4F  }
0xd: {  	s30 =	smul.u32 $0x7D000, s8;
	s10 =	sshrl.u32 s7, $0x1;
	s9 =	sor.u32 s0, s9  }
0xe: {  	s26 =	sshrl.u32 s11, $0x2;
	s13 =	ssub.s32 s7, s10;
	s25 =	smul.u32 $0x7D00, s9  }
0xf: {  	s8 =	sadd.s32 s26, s3;
	s15 =	sadd.s32 s15, s14;
	s14 =	sshrl.u32 s14, $0x3  }
0x10: {  	s16 =	sadd.s32 s16, s30;
	s26 =	simm.s32 $0x180;
	s15 =	sshrl.u32 s15, $0x3  }
0x11: {  	s14 =	sadd.s32 s12, s14;
	s31 =	sadd.s32 $0x300, s16;
	s13 =	smax.u32 s13, $0x1  }
0x12: {  	s7 =	sshrl.u32 s25, $0x3;
	s11 =	sadd.s32 s12, s15;
	s12 =	sadd.s32 $0x25080, s14  }
0x13: {  	s25 =	sadd.s32 $0x128400, s3;
	s14 =	sshrl.u32 s31, $0x3;
	s15 =	sadd.s32 $0x200, s16  }
0x14: {  	s16 =	simm.s32 $0x5200;
	s7 =	sadd.s32 s1, s7;
	s14 =	sadd.s32 s14, s1  }
0x15: {  	v0 =	vimm.f32 $0.0e+00;
	s25 =	sshrl.u32 @p0 s25, $0x3;
	s9 =	sadd.s32 $0x20, s7;
	s10 =	sadd.s32 $0xF80, s7  }
.LBB2_1:
0x16: {  	[tilespmem:$0x5200] =	vst v0  }
0x17: {  	[tilespmem:$0x5210] =	vst v0  }
0x18: {  	[tilespmem:$0x5220] =	vst v0  }
0x19: {  	[tilespmem:$0x5230] =	vst v0  }
0x1a: {  	[tilespmem:$0x5240] =	vst v0  }
0x1b: {  	[tilespmem:$0x5250] =	vst v0  }
0x1c: {  	[tilespmem:$0x5260] =	vst v0  }
0x1d: {  	[tilespmem:$0x5270] =	vst v0  }
0x1e: {  	[tilespmem:$0x5280] =	vst v0  }
0x1f: {  	[tilespmem:$0x5290] =	vst v0  }
0x20: {  	[tilespmem:$0x52A0] =	vst v0  }
0x21: {  	[tilespmem:$0x52B0] =	vst v0  }
0x22: {  	[tilespmem:$0x52C0] =	vst v0  }
0x23: {  	[tilespmem:$0x52D0] =	vst v0  }
0x24: {  	[tilespmem:$0x52E0] =	vst v0  }
0x25: {  	[tilespmem:$0x52F0] =	vst v0  }
0x26: {  	[tilespmem:$0x5300] =	vst v0  }
0x27: {  	[tilespmem:$0x5310] =	vst v0  }
0x28: {  	[tilespmem:$0x5320] =	vst v0  }
0x29: {  	[tilespmem:$0x5330] =	vst v0  }
0x2a: {  	[tilespmem:$0x5340] =	vst v0  }
0x2b: {  	[tilespmem:$0x5350] =	vst v0  }
0x2c: {  	[tilespmem:$0x5360] =	vst v0  }
0x2d: {  	[tilespmem:$0x5370] =	vst v0  }
0x2e: {  	[tilespmem:$0x5380] =	vst v0  }
0x2f: {  	[tilespmem:$0x5390] =	vst v0  }
0x30: {  	[tilespmem:$0x53A0] =	vst v0  }
0x31: {  	[tilespmem:$0x53B0] =	vst v0  }
0x32: {  	[tilespmem:$0x53C0] =	vst v0  }
0x33: {  	[tilespmem:$0x53D0] =	vst v0  }
0x34: {  	[tilespmem:$0x53E0] =	vst v0  }
0x35: {  	[tilespmem:$0x53F0] =	vst v0  }
0x36: {  	[tilespmem:$0x5400] =	vst v0  }
0x37: {  	[tilespmem:$0x5410] =	vst v0  }
0x38: {  	[tilespmem:$0x5420] =	vst v0  }
0x39: {  	[tilespmem:$0x5430] =	vst v0  }
0x3a: {  	[tilespmem:$0x5440] =	vst v0  }
0x3b: {  	[tilespmem:$0x5450] =	vst v0  }
0x3c: {  	[tilespmem:$0x5460] =	vst v0  }
0x3d: {  	[tilespmem:$0x5470] =	vst v0  }
0x3e: {  	[tilespmem:$0x5480] =	vst v0  }
0x3f: {  	[tilespmem:$0x5490] =	vst v0  }
0x40: {  	[tilespmem:$0x54A0] =	vst v0  }
0x41: {  	[tilespmem:$0x54B0] =	vst v0  }
0x42: {  	[tilespmem:$0x54C0] =	vst v0  }
0x43: {  	[tilespmem:$0x54D0] =	vst v0  }
0x44: {  	[tilespmem:$0x54E0] =	vst v0  }
0x45: {  	[tilespmem:$0x54F0] =	vst v0  }
0x46: {  	[tilespmem:$0x5500] =	vst v0  }
0x47: {  	[tilespmem:$0x5510] =	vst v0  }
0x48: {  	[tilespmem:$0x5520] =	vst v0  }
0x49: {  	[tilespmem:$0x5530] =	vst v0  }
0x4a: {  	[tilespmem:$0x5540] =	vst v0  }
0x4b: {  	[tilespmem:$0x5550] =	vst v0  }
0x4c: {  	[tilespmem:$0x5560] =	vst v0  }
0x4d: {  	[tilespmem:$0x5570] =	vst v0  }
0x4e: {  	[tilespmem:$0x5580] =	vst v0  }
0x4f: {  	[tilespmem:$0x5590] =	vst v0  }
0x50: {  	[tilespmem:$0x55A0] =	vst v0  }
0x51: {  	[tilespmem:$0x55B0] =	vst v0  }
0x52: {  	[tilespmem:$0x55C0] =	vst v0  }
0x53: {  	[tilespmem:$0x55D0] =	vst v0;
	p1 =	sne.s32 s6, $0x1  }
.Ltmp0:
0x54: {  	[tilespmem:$0x55E0] =	vst v0;
	(pc) =	sbr.rel @!p1 .LBB2_3-.Ltmp0, $4  }
0x55: {  	[tilespmem:$0x55F0] =	vst v0  }
0x56: {  	[spmem:s8] =	stream.linear.scatter [tilespmem:s16], [sflag:$0x4], $0x400, $0x38;
	[tilespmem:$0x18E80] =	vst v63  }
0x57: {  	_ =	swait.ge [sflag:s17], $0x400  }
0x58: {  	s30 =	sadd.s32 $0xFFFFFFFF, s6;
	s31 =	smov.u32 s8;
	[sflag:s17] =	ssyncset.done $0x0  }
.LBB2_2:
0x59: {  	p1 =	sne.s32 s30, $0x1;
	[sflag:s17] =	ssyncadd.s32 $0xFFFFFC00;
	s31 =	sadd.s32 $0x400, s31  }
.Ltmp1:
0x5a: {  	s30 =	sadd.s32 $0xFFFFFFFF, s30;
	(pc) =	sbr.rel @p1 .LBB2_2-.Ltmp1, $4  }
0x5b: {  	_ = 	snop  }
0x5c: {  	[spmem:s31] =	stream.linear.scatter [tilespmem:s16], [sflag:$0x4], $0x400, $0x38;
	[tilespmem:$0x18E80] =	vst v63  }
0x5d: {  	_ =	swait.ge [sflag:s17], $0x400  }
0x5e: {  	[sflag:s17] =	ssyncset.done $0x0  }
.LBB2_3:
0x5f: {  	[sflag:s17] =	ssyncadd.s32 $0xFFFFFC00  }
0x60: {  	s30 =	simm.s32 $0x0;
	[bflag:$0x0] =	sbarrier.arrive $0xFFFF  }
0x61: {  	[tilespmem:s30], [sflag:$0x2] =	stream.linear.gather [hbm4b:s7+s30], $0x100, $0x38;
	[tilespmem:$0x18E80] =	vst v63  }
0x62: {  	_ =	swait.ge [sflag:s18], $0x100  }
0x63: {  	[sflag:s18] =	ssyncset.done $0x0  }
0x64: {  	[sflag:s18] =	ssyncadd.s32 $0xFFFFFF00  }
0x65: {  	[tilespmem:s20], [sflag:$0x1] =	stream.indirect.gather [hbm4b:s2+s19], $0x80, s30, s19, $0xb8;
	[tilespmem:$0x18E80] =	vst v63  }
0x66: {  	_ =	swait.ge [sflag:s21], $0x2800  }
0x67: {  	[sflag:s21] =	ssyncset.done $0x0  }
0x68: {  	[sflag:s21] =	ssyncadd.s32 $0xFFFFD800  }
0x69: {  	[spmem:s3] =	stream.indirect.scatter.add.f32 [tilespmem:s20], [sflag:$0x3], $0x80, s22, s19, $0xb8;
	[tilespmem:$0x18E80] =	vst v63  }
0x6a: {  	_ = 	snop  }
0x6b: {  	[tilespmem:s23], [sflag:$0x2] =	stream.linear.gather [hbm4b:s9+s30], $0x100, $0x38;
	[tilespmem:$0x18E80] =	vst v63  }
0x6c: {  	_ =	swait.ge [sflag:s18], $0x100  }
0x6d: {  	[sflag:s18] =	ssyncset.done $0x0  }
0x6e: {  	[sflag:s18] =	ssyncadd.s32 $0xFFFFFF00  }
0x6f: {  	[tilespmem:s24], [sflag:$0x1] =	stream.indirect.gather [hbm4b:s2+s19], $0x80, s23, s19, $0xb8;
	[tilespmem:$0x18E80] =	vst v63  }
0x70: {  	_ =	swait.ge [sflag:s21], $0x2800  }
0x71: {  	[sflag:s21] =	ssyncset.done $0x0  }
0x72: {  	[sflag:s21] =	ssyncadd.s32 $0xFFFFD800  }
0x73: {  	[spmem:s3] =	stream.indirect.scatter.add.f32 [tilespmem:s24], [sflag:$0x3], $0x80, s26, s19, $0xb8;
	[tilespmem:$0x18E80] =	vst v63  }
0x74: {  	_ =	swait.ge [sflag:s28], $0x2800  }
0x75: {  	s30 =	sshrl.u32 s15, $0x3;
	[sflag:s28] =	ssyncset.done $0x0  }
0x76: {  	s30 =	sadd.s32 s1, s30;
	[sflag:s28] =	ssyncadd.s32 $0xFFFFD800  }
0x77: {  	[tilespmem:s4], [sflag:$0x2] =	stream.linear.gather [hbm4b:s30+s4], $0x100, $0x38;
	[tilespmem:$0x18E80] =	vst v63  }
0x78: {  	_ =	swait.ge [sflag:s18], $0x100  }
0x79: {  	[sflag:s18] =	ssyncset.done $0x0  }
0x7a: {  	[sflag:s18] =	ssyncadd.s32 $0xFFFFFF00  }
0x7b: {  	[tilespmem:s20], [sflag:$0x1] =	stream.indirect.gather [hbm4b:s2+s19], $0x80, s4, s19, $0xb8;
	[tilespmem:$0x18E80] =	vst v63  }
0x7c: {  	_ =	swait.ge [sflag:s21], $0x2800  }
0x7d: {  	[sflag:s21] =	ssyncset.done $0x0  }
0x7e: {  	[sflag:s21] =	ssyncadd.s32 $0xFFFFD800  }
0x7f: {  	[spmem:s3] =	stream.indirect.scatter.add.f32 [tilespmem:s20], [sflag:$0x3], $0x80, s22, s19, $0xb8;
	[tilespmem:$0x18E80] =	vst v63  }
0x80: {  	_ =	swait.ge [sflag:s28], $0x2800  }
0x81: {  	[sflag:s28] =	ssyncset.done $0x0  }
0x82: {  	s30 =	sadd.s32 $0x0, s14;
	[sflag:s28] =	ssyncadd.s32 $0xFFFFD800  }
0x83: {  	[tilespmem:s23], [sflag:$0x2] =	stream.linear.gather [hbm4b:s30+s4], $0x100, $0x38;
	[tilespmem:$0x18E80] =	vst v63  }
0x84: {  	_ =	swait.ge [sflag:s18], $0x100  }
0x85: {  	[sflag:s18] =	ssyncset.done $0x0  }
0x86: {  	s31 =	sadd.s32 $0x200, s15;
	s30 =	simm.s32 $0x40;
	[sflag:s18] =	ssyncadd.s32 $0xFFFFFF00  }
.LBB2_4:
0x87: {  	[tilespmem:s24], [sflag:$0x1] =	stream.indirect.gather [hbm4b:s2+s19], $0x80, s23, s19, $0xb8;
	[tilespmem:$0x18E80] =	vst v63  }
0x88: {  	s0 =	smov.u32 s30  }
0x89: {  	p1 =	sne.s32 s30, $0xF00;
	s30 =	sadd.s32 $0x40, s30;
	_ =	swait.ge [sflag:s21], $0x2800  }
0x8a: {  	[sflag:s21] =	ssyncset.done $0x0  }
0x8b: {  	[sflag:s21] =	ssyncadd.s32 $0xFFFFD800  }
0x8c: {  	[spmem:s3] =	stream.indirect.scatter.add.f32 [tilespmem:s24], [sflag:$0x3], $0x80, s26, s19, $0xb8;
	[tilespmem:$0x18E80] =	vst v63  }
0x8d: {  	_ =	swait.ge [sflag:s28], $0x2800  }
0x8e: {  	s5 =	sshrl.u32 s31, $0x3;
	[sflag:s28] =	ssyncset.done $0x0  }
0x8f: {  	s5 =	sadd.s32 s1, s5;
	[sflag:s28] =	ssyncadd.s32 $0xFFFFD800  }
0x90: {  	[tilespmem:s4], [sflag:$0x2] =	stream.linear.gather [hbm4b:s5+s4], $0x100, $0x38;
	[tilespmem:$0x18E80] =	vst v63  }
0x91: {  	_ =	swait.ge [sflag:s18], $0x100  }
0x92: {  	[sflag:s18] =	ssyncset.done $0x0  }
0x93: {  	[sflag:s18] =	ssyncadd.s32 $0xFFFFFF00  }
0x94: {  	[tilespmem:s20], [sflag:$0x1] =	stream.indirect.gather [hbm4b:s2+s19], $0x80, s4, s19, $0xb8;
	[tilespmem:$0x18E80] =	vst v63  }
0x95: {  	_ =	swait.ge [sflag:s21], $0x2800  }
0x96: {  	[sflag:s21] =	ssyncset.done $0x0  }
0x97: {  	[sflag:s21] =	ssyncadd.s32 $0xFFFFD800  }
0x98: {  	[spmem:s3] =	stream.indirect.scatter.add.f32 [tilespmem:s20], [sflag:$0x3], $0x80, s22, s19, $0xb8;
	[tilespmem:$0x18E80] =	vst v63  }
0x99: {  	_ =	swait.ge [sflag:s28], $0x2800  }
0x9a: {  	[sflag:s28] =	ssyncset.done $0x0  }
.Ltmp2:
0x9b: {  	s0 =	sadd.s32 s0, s14;
	[sflag:s28] =	ssyncadd.s32 $0xFFFFD800;
	(pc) =	sbr.rel @p1 .LBB2_4-.Ltmp2, $4  }
0x9c: {  	[tilespmem:s23], [sflag:$0x2] =	stream.linear.gather [hbm4b:s0+s4], $0x100, $0x38;
	[tilespmem:$0x18E80] =	vst v63  }
0x9d: {  	_ =	swait.ge [sflag:s18], $0x100  }
0x9e: {  	[sflag:s18] =	ssyncset.done $0x0  }
0x9f: {  	s31 =	sadd.s32 $0x200, s31;
	[sflag:s18] =	ssyncadd.s32 $0xFFFFFF00  }
0xa0: {  	[tilespmem:s24], [sflag:$0x1] =	stream.indirect.gather [hbm4b:s2+s19], $0x80, s23, s19, $0xb8;
	[tilespmem:$0x18E80] =	vst v63  }
0xa1: {  	_ =	swait.ge [sflag:s21], $0x2800  }
0xa2: {  	[sflag:s21] =	ssyncset.done $0x0  }
0xa3: {  	[sflag:s21] =	ssyncadd.s32 $0xFFFFD800  }
0xa4: {  	[spmem:s3] =	stream.indirect.scatter.add.f32 [tilespmem:s24], [sflag:$0x3], $0x80, s26, s19, $0xb8;
	[tilespmem:$0x18E80] =	vst v63  }
0xa5: {  	_ =	swait.ge [sflag:s28], $0x2800  }
0xa6: {  	[sflag:s28] =	ssyncset.done $0x0  }
0xa7: {  	[sflag:s28] =	ssyncadd.s32 $0xFFFFD800  }
0xa8: {  	[tilespmem:s4], [sflag:$0x2] =	stream.linear.gather [hbm4b:s10+s4], $0x100, $0x38;
	[tilespmem:$0x18E80] =	vst v63  }
0xa9: {  	_ =	swait.ge [sflag:s18], $0x100  }
0xaa: {  	[sflag:s18] =	ssyncset.done $0x0  }
0xab: {  	[sflag:s18] =	ssyncadd.s32 $0xFFFFFF00  }
0xac: {  	[tilespmem:s20], [sflag:$0x1] =	stream.indirect.gather [hbm4b:s2+s19], $0x80, s4, s19, $0xb8;
	[tilespmem:$0x18E80] =	vst v63  }
0xad: {  	_ =	swait.ge [sflag:s21], $0x2800  }
0xae: {  	[sflag:s21] =	ssyncset.done $0x0  }
0xaf: {  	[sflag:s21] =	ssyncadd.s32 $0xFFFFD800  }
0xb0: {  	[spmem:s3] =	stream.indirect.scatter.add.f32 [tilespmem:s20], [sflag:$0x3], $0x80, s22, s19, $0xb8;
	[tilespmem:$0x18E80] =	vst v63  }
0xb1: {  	_ =	swait.ge [sflag:s28], $0x2800  }
0xb2: {  	[sflag:s28] =	ssyncset.done $0x0  }
0xb3: {  	[sflag:s28] =	ssyncadd.s32 $0xFFFFD800  }
0xb4: {  	_ =	swait.ge [sflag:s28], $0x2800  }
0xb5: {  	[sflag:s28] =	ssyncset.done $0x0  }
0xb6: {  	[sflag:s28] =	ssyncadd.s32 $0xFFFFD800  }
0xb7: {  	s0 =	simm.s32 @p0 $0x1FC4;
	[bflag:$0x0] =	sbarrier.arrive $0xFFFF  }
0xb8: {  	[hbm:s12], [sflag:s0] =	dma.local @p0 [spmem:s25], $0x2080  }
0xb9: {  	s0 =	simm.s32 @p0 $0x4  }
0xba: {  	s5 =	stileid.u32;
	s29 =	sadd.s32 $0x1, s29;
	_ =	swait.ge @p0 [sflag:s0], $0x2080  }
0xbb: {  	s5 =	sshll.u32 @!p0 s5, $0x6;
	p1 =	sne.s32 s29, s13;
	[sflag:s0] =	ssyncset.done @p0 $0x0  }
0xbc: {  	[sflag:s0] =	ssyncadd.s32 @p0 $0xFFFFDF80;
	s0 =	sor.u32 @!p0 $0x1C04, s5;
	s5 =	sshrl.u32 @!p0 s8, $0x3  }
0xbd: {  	[hbm:s11], [sflag:s0] =	dma.local @!p0 [spmem:s5], $0x2780  }
.Ltmp3:
0xbe: {  	_ = 	snop;
	(pc) =	sbr.rel @p1 .LBB2_1-.Ltmp3, $4  }
0xbf: {  	s0 =	simm.s32 @!p0 $0x4  }
0xc0: {  	_ =	swait.ge @!p0 [sflag:s0], $0x2780  }
0xc1: {  	[sflag:s0] =	ssyncset.done @!p0 $0x0  }
0xc2: {  	[sflag:s0] =	ssyncadd.s32 @!p0 $0xFFFFD880  }
0xc3: {  	_ =	sfence.sel $0x180000  }
0xc4: {  	[bflag:$0x0] =	sbarrier.arrive $0xFFFF  }
0xc5: {  	_ =	strace $0x90000047  }
0xc6: {  	s0 =	stileid.u32;
	[bflag:$0x2] =	sbarrier.arrive $0xFFFF  }
0xc7: {  	p0 =	sne.s32 s0, $0x0;
	s0 =	rddreg [dreg:$0x4]  }
0xc8: {  	s0 =	sadd.s32 @!p0 $0x100000, s0  }
0xc9: {  	[sflag:s0] =	ssyncadd.tile.s32 @!p0 $0x1;
	_ =	shalt  }
.Lfunc_end2:
_tile_overlayer_lowered:
.L_overlay_start_2:
0xca: {  	(tag) =	ssettag $0x2  }
0xcb: {  	s0 =	rddreg [dreg:$0x0];
	s2 =	stileid.u32  }
0xcc: {  	s1 =	rddreg [dreg:$0x1];
	p0 =	sne.s32 s2, $0x0  }
0xcd: {  	s3 =	rddreg [dreg:$0x2];
	[bflag:$0x3] =	sbarrier.arrive $0xFFFF;
	s2 =	simm.s32 @!p0 $0x1C04  }
0xce: {  	[timem:s3], [sflag:s2] =	dma.local @!p0 [hbm:s0], s1  }
0xcf: {  	s0 =	simm.s32 @!p0 $0x4  }
0xd0: {  	_ =	swait.ge @!p0 [sflag:s0], s1  }
0xd1: {  	s1 =	ssub.s32 @!p0 $0x0, s1;
	[sflag:s0] =	ssyncset.done @!p0 $0x0  }
0xd2: {  	[sflag:s0] =	ssyncadd.s32 @!p0 s1  }
0xd3: {  	[bflag:$0x3] =	sbarrier.arrive $0xFFFF  }
0xd4: {  	_ =	shalt  }

</sc_bundles>
